<compile_context>
chip_gen: v7x
topology: tpu7x:2x2x1
jax: 0.10.2.dev20260603
libtpu: 0.0.44.dev20260713+nightly
codegen_flags: <defaults>
</compile_context>

<pallas_src>
import jax
import jax.numpy as jnp
from jax import lax
from jax.experimental import pallas as pl
from jax.experimental.pallas import tpu as pltpu
from jax.experimental.pallas import tpu_sc as plsc

N_NODES = 10000
D_FEAT = 128
N_EDGES = 320000

NC = 2
NS = 16
NW = NC * NS

K = 112
EDGES_PER_W = -(-N_EDGES // NW)
C = -(-EDGES_PER_W // K)
E_PAD = NW * C * K
N_ROWS = 10112
STRIPE = N_ROWS // NS
RB = 1000
_CHUNKS = [(112 * i, 112) for i in range(5)] + [(560, 72)]


def _sc_body(x_hbm, idx_hbm, zk_hbm, zrow_hbm,
             parts_hbm, degw_hbm,
             idx_v, buf_v, deg_v, agg_sh, sem, sem_i):
    c = lax.axis_index("c")
    s = lax.axis_index("s")
    wid = c * NS + s
    row0 = s * STRIPE

    pltpu.sync_copy(idx_hbm.at[wid, 0], idx_v.at[0])
    pltpu.async_copy(x_hbm.at[idx_v.at[0].at[0]], buf_v.at[0], sem)
    pltpu.async_copy(idx_hbm.at[wid, 1], idx_v.at[1], sem_i)
    pltpu.sync_copy(zk_hbm, buf_v.at[1])
    pltpu.sync_copy(zrow_hbm, deg_v)
    for off, sz in _CHUNKS:
        pltpu.sync_copy(buf_v.at[1].at[pl.ds(0, sz)],
                        agg_sh.at[pl.ds(row0 + off, sz)])
    plsc.subcore_barrier()

    ones16 = jnp.ones((16,), jnp.float32)

    def scatter(p):
        pltpu.sync_copy(buf_v.at[p], agg_sh.at[idx_v.at[p].at[1]], add=True)
        for m in range(K // 16):
            dd = idx_v[p, 1, pl.ds(m * 16, 16)]
            plsc.addupdate_scatter(deg_v, [dd], ones16)


    def step(j, carry):
        p = lax.rem(j, 2)
        q = 1 - p
        pltpu.make_async_copy(x_hbm.at[idx_v.at[p].at[0]], buf_v.at[p], sem).wait()
        pltpu.make_async_copy(idx_hbm.at[wid, 0], idx_v.at[q], sem_i).wait()
        pltpu.async_copy(x_hbm.at[idx_v.at[q].at[0]], buf_v.at[q], sem)
        scatter(p)
        pltpu.async_copy(idx_hbm.at[wid, j + 2], idx_v.at[p], sem_i)
        return carry

    lax.fori_loop(0, C - 1, step, 0)
    pe = lax.rem(C - 1, 2)
    pltpu.make_async_copy(x_hbm.at[idx_v.at[pe].at[0]], buf_v.at[pe], sem).wait()
    pltpu.make_async_copy(idx_hbm.at[wid, 0], idx_v.at[1 - pe], sem_i).wait()
    scatter(pe)
    plsc.subcore_barrier()

    pltpu.sync_copy(agg_sh.at[pl.ds(row0, STRIPE)],
                    parts_hbm.at[c, pl.ds(row0, STRIPE)])
    pltpu.sync_copy(deg_v, degw_hbm.at[wid])


_sc_scatter = pl.kernel(
    _sc_body,
    out_type=[
        jax.ShapeDtypeStruct((NC, N_ROWS, D_FEAT), jnp.float32),
        jax.ShapeDtypeStruct((NW, N_ROWS), jnp.float32),
    ],
    mesh=plsc.VectorSubcoreMesh(core_axis_name="c", subcore_axis_name="s"),
    compiler_params=pltpu.CompilerParams(needs_layout_passes=False),
    scratch_types=[
        pltpu.VMEM((2, 2, K), jnp.int32),
        pltpu.VMEM((2, K, D_FEAT), jnp.float32),
        pltpu.VMEM((N_ROWS,), jnp.float32),
        pltpu.VMEM_SHARED((N_ROWS, D_FEAT), jnp.float32),
        pltpu.SemaphoreType.DMA,
        pltpu.SemaphoreType.DMA,
    ],
)


def _combine_body(x_ref, p_ref, d_ref, o_ref):
    xb = x_ref[...]
    agg = p_ref[0] + p_ref[1] + xb
    deg = jnp.sum(d_ref[:, 0, 0, :], axis=0) + 1.0
    o_ref[...] = agg / deg[:, None] + xb


_combine = pl.pallas_call(
    _combine_body,
    grid=(N_NODES // RB,),
    in_specs=[
        pl.BlockSpec((RB, D_FEAT), lambda i: (i, 0)),
        pl.BlockSpec((NC, RB, D_FEAT), lambda i: (0, i, 0)),
        pl.BlockSpec((NW, 1, 1, RB), lambda i: (0, i, 0, 0)),
    ],
    out_specs=pl.BlockSpec((RB, D_FEAT), lambda i: (i, 0)),
    out_shape=jax.ShapeDtypeStruct((N_NODES, D_FEAT), jnp.float32),
)


@jax.jit
def kernel(x, edge_index):
    src = edge_index[0].astype(jnp.int32)
    dst = edge_index[1].astype(jnp.int32)
    npad = E_PAD - N_EDGES
    pad_src = jnp.arange(npad, dtype=jnp.int32) % N_NODES
    pad_dst = N_NODES + (jnp.arange(npad, dtype=jnp.int32) % (N_ROWS - N_NODES))
    src3 = jnp.concatenate([src, pad_src]).reshape(NW, C, 1, K)
    dst3 = jnp.concatenate([dst, pad_dst]).reshape(NW, C, 1, K)
    idx = jnp.concatenate([src3, dst3], axis=2)
    idx = jnp.concatenate([idx, jnp.zeros((NW, 1, 2, K), jnp.int32)], axis=1)
    zk = jnp.zeros((K, D_FEAT), jnp.float32)
    zrow = jnp.zeros((N_ROWS,), jnp.float32)
    parts, degw = _sc_scatter(x, idx, zk, zrow)
    degw4 = degw[:, :N_NODES].reshape(NW, N_NODES // RB, 1, RB)
    return _combine(x, parts, degw4)

# --- scband reference (transcript-rebuilt; emitter-appended) ---
"""Pipeline reference for scband-gcn-76201309766165 (READ-ONLY COPY).

The authoritative reference and input builder live on the scoring server;
editing this copy changes nothing except your own understanding.
"""

import jax, jax.numpy as jnp
import numpy as np

N_NODES = 10000
D_FEAT = 128
N_EDGES = 320000


def setup_inputs(seed: int = 0) -> dict:
    key = jax.random.key(seed)
    k1, k2 = jax.random.split(key)
    x = jax.random.normal(k1, (N_NODES, D_FEAT), dtype=jnp.float32)
    edge_index = jax.random.randint(k2, (2, N_EDGES), 0, N_NODES, dtype=jnp.int64)
    return {"x": x, "edge_index": edge_index}


def reference(x, edge_index):
    # Mirrors: g = dgl.add_self_loop(g); GraphConv(weight=False, bias=False, norm='right'); h = conv(g, x) + x
    N = x.shape[0]
    src = edge_index[0]
    dst = edge_index[1]
    self_idx = jnp.arange(N, dtype=edge_index.dtype)
    src = jnp.concatenate([src, self_idx], axis=0)
    dst = jnp.concatenate([dst, self_idx], axis=0)
    # in-degree after self-loops (>= 1 everywhere)
    deg = jnp.zeros((N,), dtype=x.dtype).at[dst].add(1.0)
    # message computation: sum over incoming edges of source features (gather + scatter-add)
    messages = jnp.take(x, src, axis=0)
    agg = jax.ops.segment_sum(messages, dst, num_segments=N)
    # norm='right' -> divide aggregated messages by in-degree
    conv_out = agg / deg[:, None]
    # residual add with g.ndata['h'] (the input features)
    h = conv_out + x
    return h

if __name__ == "__main__":
    import jax
    _d = setup_inputs()
    print(jax.jit(kernel)(*tuple(_d.values())))

</pallas_src>

<mosaic_0001>
#map = affine_map<(d0, d1) -> (0, 0)>
#map1 = affine_map<(d0, d1) -> (0, 0, 0, 0)>
#map2 = affine_map<(d0, d1) -> (0)>
#map3 = affine_map<(d0, d1) -> (0, 0, 0)>
module attributes {stable_mosaic.version = 14 : i64} {
  func.func @_sc_body(%arg0: i32, %arg1: i32, %arg2: memref<10000x128xf32, #tpu.memory_space<hbm>>, %arg3: memref<32x91x2x112xi32, #tpu.memory_space<hbm>>, %arg4: memref<112x128xf32, #tpu.memory_space<hbm>>, %arg5: memref<10112xf32, #tpu.memory_space<hbm>>, %arg6: memref<2x10112x128xf32, #tpu.memory_space<hbm>>, %arg7: memref<32x10112xf32, #tpu.memory_space<hbm>>, %arg8: memref<2x2x112xi32, #tpu.memory_space<vmem>>, %arg9: memref<2x112x128xf32, #tpu.memory_space<vmem>>, %arg10: memref<10112xf32, #tpu.memory_space<vmem>>, %arg11: memref<10112x128xf32, #tpu.memory_space<vmem_shared>>, %arg12: memref<!tpu.dma_semaphore, #tpu.memory_space<semaphore_mem>>, %arg13: memref<!tpu.dma_semaphore, #tpu.memory_space<semaphore_mem>>) attributes {dimension_semantics = [#tpu.dimension_semantics<core_parallel>, #tpu.dimension_semantics<subcore_parallel>], iteration_bounds = array<i64: 2, 16>, scalar_prefetch = 0 : i64, scratch_operands = 6 : i64, tpu.core_type = #tpu.core_type<sc_vector_subcore>, window_params = [{transform_indices = #map}, {transform_indices = #map1}, {transform_indices = #map}, {transform_indices = #map2}, {transform_indices = #map3}, {transform_indices = #map}]} {
    %mul3A = arith.constant 16 : i32
    %mul3A_0 = arith.muli %arg0, %mul3A : i32
    %add3A = arith.addi %mul3A_0, %arg1 : i32
    %mul3A_1 = arith.constant 632 : i32
    %mul3A_2 = arith.muli %arg1, %mul3A_1 : i32
    %run_scoped3A = arith.constant 0 : i32
    %run_scoped3A_3 = arith.constant 0 : i32
    "tpu.region"() ({
      %run_scoped3A_133 = tpu.sem_alloc : memref<!tpu.dma_semaphore, #tpu.memory_space<semaphore_mem>>
      %dma_start3A_134 = arith.constant 0 : i32
      %dma_start3A_135 = arith.constant 0 : i32
      %dma_start3A_136 = tpu.memref_slice %arg8[%run_scoped3A_3, %dma_start3A_134, %dma_start3A_135] : memref<2x2x112xi32, #tpu.memory_space<vmem>> -> memref<1x2x112xi32, #tpu.memory_space<vmem>>
      %dma_start3A_137 = tpu.memref_squeeze %dma_start3A_136 : memref<1x2x112xi32, #tpu.memory_space<vmem>> -> memref<2x112xi32, #tpu.memory_space<vmem>>
      %dma_start3A_138 = arith.constant 0 : i32
      %dma_start3A_139 = arith.constant 0 : i32
      %dma_start3A_140 = tpu.memref_slice %arg3[%add3A, %run_scoped3A, %dma_start3A_138, %dma_start3A_139] : memref<32x91x2x112xi32, #tpu.memory_space<hbm>> -> memref<1x1x2x112xi32, #tpu.memory_space<hbm>>
      %dma_start3A_141 = tpu.memref_squeeze %dma_start3A_140 : memref<1x1x2x112xi32, #tpu.memory_space<hbm>> -> memref<2x112xi32, #tpu.memory_space<hbm>>
      %dma_start3A_142 = arith.constant 0 : i32
      %dma_start3A_143 = arith.constant 0 : i32
      %dma_start3A_144 = tpu.memref_slice %arg8[%run_scoped3A_3, %dma_start3A_142, %dma_start3A_143] : memref<2x2x112xi32, #tpu.memory_space<vmem>> -> memref<1x2x112xi32, #tpu.memory_space<vmem>>
      %dma_start3A_145 = tpu.memref_squeeze %dma_start3A_144 : memref<1x2x112xi32, #tpu.memory_space<vmem>> -> memref<2x112xi32, #tpu.memory_space<vmem>>
      %dma_start3A_146 = arith.constant 0 : i32
      %dma_start3A_147 = arith.constant 0 : i32
      %dma_start3A_148 = tpu.memref_slice %arg3[%add3A, %run_scoped3A, %dma_start3A_146, %dma_start3A_147] : memref<32x91x2x112xi32, #tpu.memory_space<hbm>> -> memref<1x1x2x112xi32, #tpu.memory_space<hbm>>
      %dma_start3A_149 = tpu.memref_squeeze %dma_start3A_148 : memref<1x1x2x112xi32, #tpu.memory_space<hbm>> -> memref<2x112xi32, #tpu.memory_space<hbm>>
      tpu.enqueue_dma source(%dma_start3A_149 : memref<2x112xi32, #tpu.memory_space<hbm>>) target(%dma_start3A_145 : memref<2x112xi32, #tpu.memory_space<vmem>>) target_semaphore(%run_scoped3A_133 : memref<!tpu.dma_semaphore, #tpu.memory_space<semaphore_mem>>)
      %dma_wait3A_150 = arith.constant 0 : i32
      %dma_wait3A_151 = arith.constant 0 : i32
      %dma_wait3A_152 = tpu.memref_slice %arg8[%run_scoped3A_3, %dma_wait3A_150, %dma_wait3A_151] : memref<2x2x112xi32, #tpu.memory_space<vmem>> -> memref<1x2x112xi32, #tpu.memory_space<vmem>>
      %dma_wait3A_153 = tpu.memref_squeeze %dma_wait3A_152 : memref<1x2x112xi32, #tpu.memory_space<vmem>> -> memref<2x112xi32, #tpu.memory_space<vmem>>
      %dma_wait3A_154 = arith.constant 0 : i32
      %dma_wait3A_155 = arith.constant 0 : i32
      %dma_wait3A_156 = tpu.memref_slice %arg3[%add3A, %run_scoped3A, %dma_wait3A_154, %dma_wait3A_155] : memref<32x91x2x112xi32, #tpu.memory_space<hbm>> -> memref<1x1x2x112xi32, #tpu.memory_space<hbm>>
      %dma_wait3A_157 = tpu.memref_squeeze %dma_wait3A_156 : memref<1x1x2x112xi32, #tpu.memory_space<hbm>> -> memref<2x112xi32, #tpu.memory_space<hbm>>
      %dma_wait3A_158 = arith.constant 0 : i32
      %dma_wait3A_159 = arith.constant 0 : i32
      %dma_wait3A_160 = tpu.memref_slice %arg8[%run_scoped3A_3, %dma_wait3A_158, %dma_wait3A_159] : memref<2x2x112xi32, #tpu.memory_space<vmem>> -> memref<1x2x112xi32, #tpu.memory_space<vmem>>
      %dma_wait3A_161 = tpu.memref_squeeze %dma_wait3A_160 : memref<1x2x112xi32, #tpu.memory_space<vmem>> -> memref<2x112xi32, #tpu.memory_space<vmem>>
      %dma_wait3A_162 = arith.constant 0 : i32
      %dma_wait3A_163 = arith.constant 0 : i32
      %dma_wait3A_164 = tpu.memref_slice %arg3[%add3A, %run_scoped3A, %dma_wait3A_162, %dma_wait3A_163] : memref<32x91x2x112xi32, #tpu.memory_space<hbm>> -> memref<1x1x2x112xi32, #tpu.memory_space<hbm>>
      %dma_wait3A_165 = tpu.memref_squeeze %dma_wait3A_164 : memref<1x1x2x112xi32, #tpu.memory_space<hbm>> -> memref<2x112xi32, #tpu.memory_space<hbm>>
      tpu.wait_dma2 semaphore(%run_scoped3A_133 : memref<!tpu.dma_semaphore, #tpu.memory_space<semaphore_mem>>) src(%dma_wait3A_165 : memref<2x112xi32, #tpu.memory_space<hbm>>) dst(%dma_wait3A_161 : memref<2x112xi32, #tpu.memory_space<vmem>>)
      tpu.yield
    }) : () -> ()
    %dma_start3A = arith.constant 0 : i32
    %dma_start3A_4 = arith.constant 0 : i32
    %dma_start3A_5 = arith.constant 0 : i32
    %dma_start3A_6 = arith.constant 0 : i32
    %dma_start3A_7 = arith.constant 0 : i32
    %dma_start3A_8 = tpu.memref_slice %arg9[%dma_start3A_5, %dma_start3A_6, %dma_start3A_7] : memref<2x112x128xf32, #tpu.memory_space<vmem>> -> memref<1x112x128xf32, #tpu.memory_space<vmem>>
    %dma_start3A_9 = tpu.memref_squeeze %dma_start3A_8 : memref<1x112x128xf32, #tpu.memory_space<vmem>> -> memref<112x128xf32, #tpu.memory_space<vmem>>
    %dma_start3A_10 = arith.constant 0 : i32
    %dma_start3A_11 = arith.constant 0 : i32
    %dma_start3A_12 = tpu.memref_slice %arg8[%dma_start3A, %dma_start3A_10, %dma_start3A_11] : memref<2x2x112xi32, #tpu.memory_space<vmem>> -> memref<1x2x112xi32, #tpu.memory_space<vmem>>
    %dma_start3A_13 = tpu.memref_squeeze %dma_start3A_12 : memref<1x2x112xi32, #tpu.memory_space<vmem>> -> memref<2x112xi32, #tpu.memory_space<vmem>>
    %dma_start3A_14 = arith.constant 0 : i32
    %dma_start3A_15 = tpu.memref_slice %dma_start3A_13[%dma_start3A_4, %dma_start3A_14] : memref<2x112xi32, #tpu.memory_space<vmem>> -> memref<1x112xi32, #tpu.memory_space<vmem>>
    %dma_start3A_16 = tpu.memref_squeeze %dma_start3A_15 : memref<1x112xi32, #tpu.memory_space<vmem>> -> memref<112xi32, #tpu.memory_space<vmem>>
    %dma_start3A_17 = arith.constant 0 : i32
    %dma_start3A_18 = arith.constant 0 : i32
    %dma_start3A_19 = tpu.memref_slice %arg2[%dma_start3A_17, %dma_start3A_18] : memref<10000x128xf32, #tpu.memory_space<hbm>> -> memref<10000x128xf32, #tpu.memory_space<hbm>>
    tpu.enqueue_indirect_dma source(%dma_start3A_19 : memref<10000x128xf32, #tpu.memory_space<hbm>>) target(%dma_start3A_9 : memref<112x128xf32, #tpu.memory_space<vmem>>) offsets(%dma_start3A_16 : memref<112xi32, #tpu.memory_space<vmem>>) semaphore(%arg12 : memref<!tpu.dma_semaphore, #tpu.memory_space<semaphore_mem>>)
    %dma_start3A_20 = arith.constant 1 : i32
    %dma_start3A_21 = arith.constant 1 : i32
    %dma_start3A_22 = arith.constant 0 : i32
    %dma_start3A_23 = arith.constant 0 : i32
    %dma_start3A_24 = tpu.memref_slice %arg8[%dma_start3A_21, %dma_start3A_22, %dma_start3A_23] : memref<2x2x112xi32, #tpu.memory_space<vmem>> -> memref<1x2x112xi32, #tpu.memory_space<vmem>>
    %dma_start3A_25 = tpu.memref_squeeze %dma_start3A_24 : memref<1x2x112xi32, #tpu.memory_space<vmem>> -> memref<2x112xi32, #tpu.memory_space<vmem>>
    %dma_start3A_26 = arith.constant 0 : i32
    %dma_start3A_27 = arith.constant 0 : i32
    %dma_start3A_28 = tpu.memref_slice %arg3[%add3A, %dma_start3A_20, %dma_start3A_26, %dma_start3A_27] : memref<32x91x2x112xi32, #tpu.memory_space<hbm>> -> memref<1x1x2x112xi32, #tpu.memory_space<hbm>>
    %dma_start3A_29 = tpu.memref_squeeze %dma_start3A_28 : memref<1x1x2x112xi32, #tpu.memory_space<hbm>> -> memref<2x112xi32, #tpu.memory_space<hbm>>
    %dma_start3A_30 = arith.constant 0 : i32
    %dma_start3A_31 = arith.constant 0 : i32
    %dma_start3A_32 = tpu.memref_slice %arg8[%dma_start3A_21, %dma_start3A_30, %dma_start3A_31] : memref<2x2x112xi32, #tpu.memory_space<vmem>> -> memref<1x2x112xi32, #tpu.memory_space<vmem>>
    %dma_start3A_33 = tpu.memref_squeeze %dma_start3A_32 : memref<1x2x112xi32, #tpu.memory_space<vmem>> -> memref<2x112xi32, #tpu.memory_space<vmem>>
    %dma_start3A_34 = arith.constant 0 : i32
    %dma_start3A_35 = arith.constant 0 : i32
    %dma_start3A_36 = tpu.memref_slice %arg3[%add3A, %dma_start3A_20, %dma_start3A_34, %dma_start3A_35] : memref<32x91x2x112xi32, #tpu.memory_space<hbm>> -> memref<1x1x2x112xi32, #tpu.memory_space<hbm>>
    %dma_start3A_37 = tpu.memref_squeeze %dma_start3A_36 : memref<1x1x2x112xi32, #tpu.memory_space<hbm>> -> memref<2x112xi32, #tpu.memory_space<hbm>>
    tpu.enqueue_dma source(%dma_start3A_37 : memref<2x112xi32, #tpu.memory_space<hbm>>) target(%dma_start3A_33 : memref<2x112xi32, #tpu.memory_space<vmem>>) target_semaphore(%arg13 : memref<!tpu.dma_semaphore, #tpu.memory_space<semaphore_mem>>)
    %run_scoped3A_38 = arith.constant 1 : i32
    "tpu.region"() ({
      %run_scoped3A_133 = tpu.sem_alloc : memref<!tpu.dma_semaphore, #tpu.memory_space<semaphore_mem>>
      %dma_start3A_134 = arith.constant 0 : i32
      %dma_start3A_135 = arith.constant 0 : i32
      %dma_start3A_136 = tpu.memref_slice %arg9[%run_scoped3A_38, %dma_start3A_134, %dma_start3A_135] : memref<2x112x128xf32, #tpu.memory_space<vmem>> -> memref<1x112x128xf32, #tpu.memory_space<vmem>>
      %dma_start3A_137 = tpu.memref_squeeze %dma_start3A_136 : memref<1x112x128xf32, #tpu.memory_space<vmem>> -> memref<112x128xf32, #tpu.memory_space<vmem>>
      %dma_start3A_138 = arith.constant 0 : i32
      %dma_start3A_139 = arith.constant 0 : i32
      %dma_start3A_140 = tpu.memref_slice %arg9[%run_scoped3A_38, %dma_start3A_138, %dma_start3A_139] : memref<2x112x128xf32, #tpu.memory_space<vmem>> -> memref<1x112x128xf32, #tpu.memory_space<vmem>>
      %dma_start3A_141 = tpu.memref_squeeze %dma_start3A_140 : memref<1x112x128xf32, #tpu.memory_space<vmem>> -> memref<112x128xf32, #tpu.memory_space<vmem>>
      tpu.enqueue_dma source(%arg4 : memref<112x128xf32, #tpu.memory_space<hbm>>) target(%dma_start3A_141 : memref<112x128xf32, #tpu.memory_space<vmem>>) target_semaphore(%run_scoped3A_133 : memref<!tpu.dma_semaphore, #tpu.memory_space<semaphore_mem>>)
      %dma_wait3A_142 = arith.constant 0 : i32
      %dma_wait3A_143 = arith.constant 0 : i32
      %dma_wait3A_144 = tpu.memref_slice %arg9[%run_scoped3A_38, %dma_wait3A_142, %dma_wait3A_143] : memref<2x112x128xf32, #tpu.memory_space<vmem>> -> memref<1x112x128xf32, #tpu.memory_space<vmem>>
      %dma_wait3A_145 = tpu.memref_squeeze %dma_wait3A_144 : memref<1x112x128xf32, #tpu.memory_space<vmem>> -> memref<112x128xf32, #tpu.memory_space<vmem>>
      %dma_wait3A_146 = arith.constant 0 : i32
      %dma_wait3A_147 = arith.constant 0 : i32
      %dma_wait3A_148 = tpu.memref_slice %arg9[%run_scoped3A_38, %dma_wait3A_146, %dma_wait3A_147] : memref<2x112x128xf32, #tpu.memory_space<vmem>> -> memref<1x112x128xf32, #tpu.memory_space<vmem>>
      %dma_wait3A_149 = tpu.memref_squeeze %dma_wait3A_148 : memref<1x112x128xf32, #tpu.memory_space<vmem>> -> memref<112x128xf32, #tpu.memory_space<vmem>>
      tpu.wait_dma2 semaphore(%run_scoped3A_133 : memref<!tpu.dma_semaphore, #tpu.memory_space<semaphore_mem>>) src(%arg4 : memref<112x128xf32, #tpu.memory_space<hbm>>) dst(%dma_wait3A_149 : memref<112x128xf32, #tpu.memory_space<vmem>>)
      tpu.yield
    }) : () -> ()
    "tpu.region"() ({
      %run_scoped3A_133 = tpu.sem_alloc : memref<!tpu.dma_semaphore, #tpu.memory_space<semaphore_mem>>
      tpu.enqueue_dma source(%arg5 : memref<10112xf32, #tpu.memory_space<hbm>>) target(%arg10 : memref<10112xf32, #tpu.memory_space<vmem>>) target_semaphore(%run_scoped3A_133 : memref<!tpu.dma_semaphore, #tpu.memory_space<semaphore_mem>>)
      tpu.wait_dma2 semaphore(%run_scoped3A_133 : memref<!tpu.dma_semaphore, #tpu.memory_space<semaphore_mem>>) src(%arg5 : memref<10112xf32, #tpu.memory_space<hbm>>) dst(%arg10 : memref<10112xf32, #tpu.memory_space<vmem>>)
      tpu.yield
    }) : () -> ()
    %add3A_39 = arith.constant 0 : i32
    %add3A_40 = arith.addi %mul3A_2, %add3A_39 : i32
    %run_scoped3A_41 = arith.constant 1 : i32
    "tpu.region"() ({
      %run_scoped3A_133 = tpu.sem_alloc : memref<!tpu.dma_semaphore, #tpu.memory_space<semaphore_mem>>
      %dma_start3A_134 = arith.constant 0 : i32
      %dma_start3A_135 = arith.constant 0 : i32
      %dma_start3A_136 = tpu.memref_slice %arg9[%run_scoped3A_41, %dma_start3A_134, %dma_start3A_135] : memref<2x112x128xf32, #tpu.memory_space<vmem>> -> memref<1x112x128xf32, #tpu.memory_space<vmem>>
      %dma_start3A_137 = tpu.memref_squeeze %dma_start3A_136 : memref<1x112x128xf32, #tpu.memory_space<vmem>> -> memref<112x128xf32, #tpu.memory_space<vmem>>
      %dma_start3A_138 = arith.constant 0 : i32
      %dma_start3A_139 = arith.constant 0 : i32
      %dma_start3A_140 = tpu.memref_slice %dma_start3A_137[%dma_start3A_138, %dma_start3A_139] : memref<112x128xf32, #tpu.memory_space<vmem>> -> memref<112x128xf32, #tpu.memory_space<vmem>>
      %dma_start3A_141 = arith.constant 0 : i32
      %dma_start3A_142 = tpu.memref_slice %arg11[%add3A_40, %dma_start3A_141] : memref<10112x128xf32, #tpu.memory_space<vmem_shared>> -> memref<112x128xf32, #tpu.memory_space<vmem_shared>>
      %dma_start3A_143 = arith.constant 0 : i32
      %dma_start3A_144 = tpu.memref_slice %arg11[%add3A_40, %dma_start3A_143] : memref<10112x128xf32, #tpu.memory_space<vmem_shared>> -> memref<112x128xf32, #tpu.memory_space<vmem_shared>>
      %dma_start3A_145 = arith.constant 0 : i32
      %dma_start3A_146 = arith.constant 0 : i32
      %dma_start3A_147 = tpu.memref_slice %arg9[%run_scoped3A_41, %dma_start3A_145, %dma_start3A_146] : memref<2x112x128xf32, #tpu.memory_space<vmem>> -> memref<1x112x128xf32, #tpu.memory_space<vmem>>
      %dma_start3A_148 = tpu.memref_squeeze %dma_start3A_147 : memref<1x112x128xf32, #tpu.memory_space<vmem>> -> memref<112x128xf32, #tpu.memory_space<vmem>>
      %dma_start3A_149 = arith.constant 0 : i32
      %dma_start3A_150 = arith.constant 0 : i32
      %dma_start3A_151 = tpu.memref_slice %dma_start3A_148[%dma_start3A_149, %dma_start3A_150] : memref<112x128xf32, #tpu.memory_space<vmem>> -> memref<112x128xf32, #tpu.memory_space<vmem>>
      tpu.enqueue_dma source(%dma_start3A_151 : memref<112x128xf32, #tpu.memory_space<vmem>>) target(%dma_start3A_144 : memref<112x128xf32, #tpu.memory_space<vmem_shared>>) target_semaphore(%run_scoped3A_133 : memref<!tpu.dma_semaphore, #tpu.memory_space<semaphore_mem>>)
      %dma_wait3A_152 = arith.constant 0 : i32
      %dma_wait3A_153 = arith.constant 0 : i32
      %dma_wait3A_154 = tpu.memref_slice %arg9[%run_scoped3A_41, %dma_wait3A_152, %dma_wait3A_153] : memref<2x112x128xf32, #tpu.memory_space<vmem>> -> memref<1x112x128xf32, #tpu.memory_space<vmem>>
      %dma_wait3A_155 = tpu.memref_squeeze %dma_wait3A_154 : memref<1x112x128xf32, #tpu.memory_space<vmem>> -> memref<112x128xf32, #tpu.memory_space<vmem>>
      %dma_wait3A_156 = arith.constant 0 : i32
      %dma_wait3A_157 = arith.constant 0 : i32
      %dma_wait3A_158 = tpu.memref_slice %dma_wait3A_155[%dma_wait3A_156, %dma_wait3A_157] : memref<112x128xf32, #tpu.memory_space<vmem>> -> memref<112x128xf32, #tpu.memory_space<vmem>>
      %dma_wait3A_159 = arith.constant 0 : i32
      %dma_wait3A_160 = tpu.memref_slice %arg11[%add3A_40, %dma_wait3A_159] : memref<10112x128xf32, #tpu.memory_space<vmem_shared>> -> memref<112x128xf32, #tpu.memory_space<vmem_shared>>
      %dma_wait3A_161 = arith.constant 0 : i32
      %dma_wait3A_162 = tpu.memref_slice %arg11[%add3A_40, %dma_wait3A_161] : memref<10112x128xf32, #tpu.memory_space<vmem_shared>> -> memref<112x128xf32, #tpu.memory_space<vmem_shared>>
      %dma_wait3A_163 = arith.constant 0 : i32
      %dma_wait3A_164 = arith.constant 0 : i32
      %dma_wait3A_165 = tpu.memref_slice %arg9[%run_scoped3A_41, %dma_wait3A_163, %dma_wait3A_164] : memref<2x112x128xf32, #tpu.memory_space<vmem>> -> memref<1x112x128xf32, #tpu.memory_space<vmem>>
      %dma_wait3A_166 = tpu.memref_squeeze %dma_wait3A_165 : memref<1x112x128xf32, #tpu.memory_space<vmem>> -> memref<112x128xf32, #tpu.memory_space<vmem>>
      %dma_wait3A_167 = arith.constant 0 : i32
      %dma_wait3A_168 = arith.constant 0 : i32
      %dma_wait3A_169 = tpu.memref_slice %dma_wait3A_166[%dma_wait3A_167, %dma_wait3A_168] : memref<112x128xf32, #tpu.memory_space<vmem>> -> memref<112x128xf32, #tpu.memory_space<vmem>>
      tpu.wait_dma2 semaphore(%run_scoped3A_133 : memref<!tpu.dma_semaphore, #tpu.memory_space<semaphore_mem>>) src(%dma_wait3A_169 : memref<112x128xf32, #tpu.memory_space<vmem>>) dst(%dma_wait3A_162 : memref<112x128xf32, #tpu.memory_space<vmem_shared>>)
      tpu.yield
    }) : () -> ()
    %add3A_42 = arith.constant 112 : i32
    %add3A_43 = arith.addi %mul3A_2, %add3A_42 : i32
    %run_scoped3A_44 = arith.constant 1 : i32
    "tpu.region"() ({
      %run_scoped3A_133 = tpu.sem_alloc : memref<!tpu.dma_semaphore, #tpu.memory_space<semaphore_mem>>
      %dma_start3A_134 = arith.constant 0 : i32
      %dma_start3A_135 = arith.constant 0 : i32
      %dma_start3A_136 = tpu.memref_slice %arg9[%run_scoped3A_44, %dma_start3A_134, %dma_start3A_135] : memref<2x112x128xf32, #tpu.memory_space<vmem>> -> memref<1x112x128xf32, #tpu.memory_space<vmem>>
      %dma_start3A_137 = tpu.memref_squeeze %dma_start3A_136 : memref<1x112x128xf32, #tpu.memory_space<vmem>> -> memref<112x128xf32, #tpu.memory_space<vmem>>
      %dma_start3A_138 = arith.constant 0 : i32
      %dma_start3A_139 = arith.constant 0 : i32
      %dma_start3A_140 = tpu.memref_slice %dma_start3A_137[%dma_start3A_138, %dma_start3A_139] : memref<112x128xf32, #tpu.memory_space<vmem>> -> memref<112x128xf32, #tpu.memory_space<vmem>>
      %dma_start3A_141 = arith.constant 0 : i32
      %dma_start3A_142 = tpu.memref_slice %arg11[%add3A_43, %dma_start3A_141] : memref<10112x128xf32, #tpu.memory_space<vmem_shared>> -> memref<112x128xf32, #tpu.memory_space<vmem_shared>>
      %dma_start3A_143 = arith.constant 0 : i32
      %dma_start3A_144 = tpu.memref_slice %arg11[%add3A_43, %dma_start3A_143] : memref<10112x128xf32, #tpu.memory_space<vmem_shared>> -> memref<112x128xf32, #tpu.memory_space<vmem_shared>>
      %dma_start3A_145 = arith.constant 0 : i32
      %dma_start3A_146 = arith.constant 0 : i32
      %dma_start3A_147 = tpu.memref_slice %arg9[%run_scoped3A_44, %dma_start3A_145, %dma_start3A_146] : memref<2x112x128xf32, #tpu.memory_space<vmem>> -> memref<1x112x128xf32, #tpu.memory_space<vmem>>
      %dma_start3A_148 = tpu.memref_squeeze %dma_start3A_147 : memref<1x112x128xf32, #tpu.memory_space<vmem>> -> memref<112x128xf32, #tpu.memory_space<vmem>>
      %dma_start3A_149 = arith.constant 0 : i32
      %dma_start3A_150 = arith.constant 0 : i32
      %dma_start3A_151 = tpu.memref_slice %dma_start3A_148[%dma_start3A_149, %dma_start3A_150] : memref<112x128xf32, #tpu.memory_space<vmem>> -> memref<112x128xf32, #tpu.memory_space<vmem>>
      tpu.enqueue_dma source(%dma_start3A_151 : memref<112x128xf32, #tpu.memory_space<vmem>>) target(%dma_start3A_144 : memref<112x128xf32, #tpu.memory_space<vmem_shared>>) target_semaphore(%run_scoped3A_133 : memref<!tpu.dma_semaphore, #tpu.memory_space<semaphore_mem>>)
      %dma_wait3A_152 = arith.constant 0 : i32
      %dma_wait3A_153 = arith.constant 0 : i32
      %dma_wait3A_154 = tpu.memref_slice %arg9[%run_scoped3A_44, %dma_wait3A_152, %dma_wait3A_153] : memref<2x112x128xf32, #tpu.memory_space<vmem>> -> memref<1x112x128xf32, #tpu.memory_space<vmem>>
      %dma_wait3A_155 = tpu.memref_squeeze %dma_wait3A_154 : memref<1x112x128xf32, #tpu.memory_space<vmem>> -> memref<112x128xf32, #tpu.memory_space<vmem>>
      %dma_wait3A_156 = arith.constant 0 : i32
      %dma_wait3A_157 = arith.constant 0 : i32
      %dma_wait3A_158 = tpu.memref_slice %dma_wait3A_155[%dma_wait3A_156, %dma_wait3A_157] : memref<112x128xf32, #tpu.memory_space<vmem>> -> memref<112x128xf32, #tpu.memory_space<vmem>>
      %dma_wait3A_159 = arith.constant 0 : i32
      %dma_wait3A_160 = tpu.memref_slice %arg11[%add3A_43, %dma_wait3A_159] : memref<10112x128xf32, #tpu.memory_space<vmem_shared>> -> memref<112x128xf32, #tpu.memory_space<vmem_shared>>
      %dma_wait3A_161 = arith.constant 0 : i32
      %dma_wait3A_162 = tpu.memref_slice %arg11[%add3A_43, %dma_wait3A_161] : memref<10112x128xf32, #tpu.memory_space<vmem_shared>> -> memref<112x128xf32, #tpu.memory_space<vmem_shared>>
      %dma_wait3A_163 = arith.constant 0 : i32
      %dma_wait3A_164 = arith.constant 0 : i32
      %dma_wait3A_165 = tpu.memref_slice %arg9[%run_scoped3A_44, %dma_wait3A_163, %dma_wait3A_164] : memref<2x112x128xf32, #tpu.memory_space<vmem>> -> memref<1x112x128xf32, #tpu.memory_space<vmem>>
      %dma_wait3A_166 = tpu.memref_squeeze %dma_wait3A_165 : memref<1x112x128xf32, #tpu.memory_space<vmem>> -> memref<112x128xf32, #tpu.memory_space<vmem>>
      %dma_wait3A_167 = arith.constant 0 : i32
      %dma_wait3A_168 = arith.constant 0 : i32
      %dma_wait3A_169 = tpu.memref_slice %dma_wait3A_166[%dma_wait3A_167, %dma_wait3A_168] : memref<112x128xf32, #tpu.memory_space<vmem>> -> memref<112x128xf32, #tpu.memory_space<vmem>>
      tpu.wait_dma2 semaphore(%run_scoped3A_133 : memref<!tpu.dma_semaphore, #tpu.memory_space<semaphore_mem>>) src(%dma_wait3A_169 : memref<112x128xf32, #tpu.memory_space<vmem>>) dst(%dma_wait3A_162 : memref<112x128xf32, #tpu.memory_space<vmem_shared>>)
      tpu.yield
    }) : () -> ()
    %add3A_45 = arith.constant 224 : i32
    %add3A_46 = arith.addi %mul3A_2, %add3A_45 : i32
    %run_scoped3A_47 = arith.constant 1 : i32
    "tpu.region"() ({
      %run_scoped3A_133 = tpu.sem_alloc : memref<!tpu.dma_semaphore, #tpu.memory_space<semaphore_mem>>
      %dma_start3A_134 = arith.constant 0 : i32
      %dma_start3A_135 = arith.constant 0 : i32
      %dma_start3A_136 = tpu.memref_slice %arg9[%run_scoped3A_47, %dma_start3A_134, %dma_start3A_135] : memref<2x112x128xf32, #tpu.memory_space<vmem>> -> memref<1x112x128xf32, #tpu.memory_space<vmem>>
      %dma_start3A_137 = tpu.memref_squeeze %dma_start3A_136 : memref<1x112x128xf32, #tpu.memory_space<vmem>> -> memref<112x128xf32, #tpu.memory_space<vmem>>
      %dma_start3A_138 = arith.constant 0 : i32
      %dma_start3A_139 = arith.constant 0 : i32
      %dma_start3A_140 = tpu.memref_slice %dma_start3A_137[%dma_start3A_138, %dma_start3A_139] : memref<112x128xf32, #tpu.memory_space<vmem>> -> memref<112x128xf32, #tpu.memory_space<vmem>>
      %dma_start3A_141 = arith.constant 0 : i32
      %dma_start3A_142 = tpu.memref_slice %arg11[%add3A_46, %dma_start3A_141] : memref<10112x128xf32, #tpu.memory_space<vmem_shared>> -> memref<112x128xf32, #tpu.memory_space<vmem_shared>>
      %dma_start3A_143 = arith.constant 0 : i32
      %dma_start3A_144 = tpu.memref_slice %arg11[%add3A_46, %dma_start3A_143] : memref<10112x128xf32, #tpu.memory_space<vmem_shared>> -> memref<112x128xf32, #tpu.memory_space<vmem_shared>>
      %dma_start3A_145 = arith.constant 0 : i32
      %dma_start3A_146 = arith.constant 0 : i32
      %dma_start3A_147 = tpu.memref_slice %arg9[%run_scoped3A_47, %dma_start3A_145, %dma_start3A_146] : memref<2x112x128xf32, #tpu.memory_space<vmem>> -> memref<1x112x128xf32, #tpu.memory_space<vmem>>
      %dma_start3A_148 = tpu.memref_squeeze %dma_start3A_147 : memref<1x112x128xf32, #tpu.memory_space<vmem>> -> memref<112x128xf32, #tpu.memory_space<vmem>>
      %dma_start3A_149 = arith.constant 0 : i32
      %dma_start3A_150 = arith.constant 0 : i32
      %dma_start3A_151 = tpu.memref_slice %dma_start3A_148[%dma_start3A_149, %dma_start3A_150] : memref<112x128xf32, #tpu.memory_space<vmem>> -> memref<112x128xf32, #tpu.memory_space<vmem>>
      tpu.enqueue_dma source(%dma_start3A_151 : memref<112x128xf32, #tpu.memory_space<vmem>>) target(%dma_start3A_144 : memref<112x128xf32, #tpu.memory_space<vmem_shared>>) target_semaphore(%run_scoped3A_133 : memref<!tpu.dma_semaphore, #tpu.memory_space<semaphore_mem>>)
      %dma_wait3A_152 = arith.constant 0 : i32
      %dma_wait3A_153 = arith.constant 0 : i32
      %dma_wait3A_154 = tpu.memref_slice %arg9[%run_scoped3A_47, %dma_wait3A_152, %dma_wait3A_153] : memref<2x112x128xf32, #tpu.memory_space<vmem>> -> memref<1x112x128xf32, #tpu.memory_space<vmem>>
      %dma_wait3A_155 = tpu.memref_squeeze %dma_wait3A_154 : memref<1x112x128xf32, #tpu.memory_space<vmem>> -> memref<112x128xf32, #tpu.memory_space<vmem>>
      %dma_wait3A_156 = arith.constant 0 : i32
      %dma_wait3A_157 = arith.constant 0 : i32
      %dma_wait3A_158 = tpu.memref_slice %dma_wait3A_155[%dma_wait3A_156, %dma_wait3A_157] : memref<112x128xf32, #tpu.memory_space<vmem>> -> memref<112x128xf32, #tpu.memory_space<vmem>>
      %dma_wait3A_159 = arith.constant 0 : i32
      %dma_wait3A_160 = tpu.memref_slice %arg11[%add3A_46, %dma_wait3A_159] : memref<10112x128xf32, #tpu.memory_space<vmem_shared>> -> memref<112x128xf32, #tpu.memory_space<vmem_shared>>
      %dma_wait3A_161 = arith.constant 0 : i32
      %dma_wait3A_162 = tpu.memref_slice %arg11[%add3A_46, %dma_wait3A_161] : memref<10112x128xf32, #tpu.memory_space<vmem_shared>> -> memref<112x128xf32, #tpu.memory_space<vmem_shared>>
      %dma_wait3A_163 = arith.constant 0 : i32
      %dma_wait3A_164 = arith.constant 0 : i32
      %dma_wait3A_165 = tpu.memref_slice %arg9[%run_scoped3A_47, %dma_wait3A_163, %dma_wait3A_164] : memref<2x112x128xf32, #tpu.memory_space<vmem>> -> memref<1x112x128xf32, #tpu.memory_space<vmem>>
      %dma_wait3A_166 = tpu.memref_squeeze %dma_wait3A_165 : memref<1x112x128xf32, #tpu.memory_space<vmem>> -> memref<112x128xf32, #tpu.memory_space<vmem>>
      %dma_wait3A_167 = arith.constant 0 : i32
      %dma_wait3A_168 = arith.constant 0 : i32
      %dma_wait3A_169 = tpu.memref_slice %dma_wait3A_166[%dma_wait3A_167, %dma_wait3A_168] : memref<112x128xf32, #tpu.memory_space<vmem>> -> memref<112x128xf32, #tpu.memory_space<vmem>>
      tpu.wait_dma2 semaphore(%run_scoped3A_133 : memref<!tpu.dma_semaphore, #tpu.memory_space<semaphore_mem>>) src(%dma_wait3A_169 : memref<112x128xf32, #tpu.memory_space<vmem>>) dst(%dma_wait3A_162 : memref<112x128xf32, #tpu.memory_space<vmem_shared>>)
      tpu.yield
    }) : () -> ()
    %add3A_48 = arith.constant 336 : i32
    %add3A_49 = arith.addi %mul3A_2, %add3A_48 : i32
    %run_scoped3A_50 = arith.constant 1 : i32
    "tpu.region"() ({
      %run_scoped3A_133 = tpu.sem_alloc : memref<!tpu.dma_semaphore, #tpu.memory_space<semaphore_mem>>
      %dma_start3A_134 = arith.constant 0 : i32
      %dma_start3A_135 = arith.constant 0 : i32
      %dma_start3A_136 = tpu.memref_slice %arg9[%run_scoped3A_50, %dma_start3A_134, %dma_start3A_135] : memref<2x112x128xf32, #tpu.memory_space<vmem>> -> memref<1x112x128xf32, #tpu.memory_space<vmem>>
      %dma_start3A_137 = tpu.memref_squeeze %dma_start3A_136 : memref<1x112x128xf32, #tpu.memory_space<vmem>> -> memref<112x128xf32, #tpu.memory_space<vmem>>
      %dma_start3A_138 = arith.constant 0 : i32
      %dma_start3A_139 = arith.constant 0 : i32
      %dma_start3A_140 = tpu.memref_slice %dma_start3A_137[%dma_start3A_138, %dma_start3A_139] : memref<112x128xf32, #tpu.memory_space<vmem>> -> memref<112x128xf32, #tpu.memory_space<vmem>>
      %dma_start3A_141 = arith.constant 0 : i32
      %dma_start3A_142 = tpu.memref_slice %arg11[%add3A_49, %dma_start3A_141] : memref<10112x128xf32, #tpu.memory_space<vmem_shared>> -> memref<112x128xf32, #tpu.memory_space<vmem_shared>>
      %dma_start3A_143 = arith.constant 0 : i32
      %dma_start3A_144 = tpu.memref_slice %arg11[%add3A_49, %dma_start3A_143] : memref<10112x128xf32, #tpu.memory_space<vmem_shared>> -> memref<112x128xf32, #tpu.memory_space<vmem_shared>>
      %dma_start3A_145 = arith.constant 0 : i32
      %dma_start3A_146 = arith.constant 0 : i32
      %dma_start3A_147 = tpu.memref_slice %arg9[%run_scoped3A_50, %dma_start3A_145, %dma_start3A_146] : memref<2x112x128xf32, #tpu.memory_space<vmem>> -> memref<1x112x128xf32, #tpu.memory_space<vmem>>
      %dma_start3A_148 = tpu.memref_squeeze %dma_start3A_147 : memref<1x112x128xf32, #tpu.memory_space<vmem>> -> memref<112x128xf32, #tpu.memory_space<vmem>>
      %dma_start3A_149 = arith.constant 0 : i32
      %dma_start3A_150 = arith.constant 0 : i32
      %dma_start3A_151 = tpu.memref_slice %dma_start3A_148[%dma_start3A_149, %dma_start3A_150] : memref<112x128xf32, #tpu.memory_space<vmem>> -> memref<112x128xf32, #tpu.memory_space<vmem>>
      tpu.enqueue_dma source(%dma_start3A_151 : memref<112x128xf32, #tpu.memory_space<vmem>>) target(%dma_start3A_144 : memref<112x128xf32, #tpu.memory_space<vmem_shared>>) target_semaphore(%run_scoped3A_133 : memref<!tpu.dma_semaphore, #tpu.memory_space<semaphore_mem>>)
      %dma_wait3A_152 = arith.constant 0 : i32
      %dma_wait3A_153 = arith.constant 0 : i32
      %dma_wait3A_154 = tpu.memref_slice %arg9[%run_scoped3A_50, %dma_wait3A_152, %dma_wait3A_153] : memref<2x112x128xf32, #tpu.memory_space<vmem>> -> memref<1x112x128xf32, #tpu.memory_space<vmem>>
      %dma_wait3A_155 = tpu.memref_squeeze %dma_wait3A_154 : memref<1x112x128xf32, #tpu.memory_space<vmem>> -> memref<112x128xf32, #tpu.memory_space<vmem>>
      %dma_wait3A_156 = arith.constant 0 : i32
      %dma_wait3A_157 = arith.constant 0 : i32
      %dma_wait3A_158 = tpu.memref_slice %dma_wait3A_155[%dma_wait3A_156, %dma_wait3A_157] : memref<112x128xf32, #tpu.memory_space<vmem>> -> memref<112x128xf32, #tpu.memory_space<vmem>>
      %dma_wait3A_159 = arith.constant 0 : i32
      %dma_wait3A_160 = tpu.memref_slice %arg11[%add3A_49, %dma_wait3A_159] : memref<10112x128xf32, #tpu.memory_space<vmem_shared>> -> memref<112x128xf32, #tpu.memory_space<vmem_shared>>
      %dma_wait3A_161 = arith.constant 0 : i32
      %dma_wait3A_162 = tpu.memref_slice %arg11[%add3A_49, %dma_wait3A_161] : memref<10112x128xf32, #tpu.memory_space<vmem_shared>> -> memref<112x128xf32, #tpu.memory_space<vmem_shared>>
      %dma_wait3A_163 = arith.constant 0 : i32
      %dma_wait3A_164 = arith.constant 0 : i32
      %dma_wait3A_165 = tpu.memref_slice %arg9[%run_scoped3A_50, %dma_wait3A_163, %dma_wait3A_164] : memref<2x112x128xf32, #tpu.memory_space<vmem>> -> memref<1x112x128xf32, #tpu.memory_space<vmem>>
      %dma_wait3A_166 = tpu.memref_squeeze %dma_wait3A_165 : memref<1x112x128xf32, #tpu.memory_space<vmem>> -> memref<112x128xf32, #tpu.memory_space<vmem>>
      %dma_wait3A_167 = arith.constant 0 : i32
      %dma_wait3A_168 = arith.constant 0 : i32
      %dma_wait3A_169 = tpu.memref_slice %dma_wait3A_166[%dma_wait3A_167, %dma_wait3A_168] : memref<112x128xf32, #tpu.memory_space<vmem>> -> memref<112x128xf32, #tpu.memory_space<vmem>>
      tpu.wait_dma2 semaphore(%run_scoped3A_133 : memref<!tpu.dma_semaphore, #tpu.memory_space<semaphore_mem>>) src(%dma_wait3A_169 : memref<112x128xf32, #tpu.memory_space<vmem>>) dst(%dma_wait3A_162 : memref<112x128xf32, #tpu.memory_space<vmem_shared>>)
      tpu.yield
    }) : () -> ()
    %add3A_51 = arith.constant 448 : i32
    %add3A_52 = arith.addi %mul3A_2, %add3A_51 : i32
    %run_scoped3A_53 = arith.constant 1 : i32
    "tpu.region"() ({
      %run_scoped3A_133 = tpu.sem_alloc : memref<!tpu.dma_semaphore, #tpu.memory_space<semaphore_mem>>
      %dma_start3A_134 = arith.constant 0 : i32
      %dma_start3A_135 = arith.constant 0 : i32
      %dma_start3A_136 = tpu.memref_slice %arg9[%run_scoped3A_53, %dma_start3A_134, %dma_start3A_135] : memref<2x112x128xf32, #tpu.memory_space<vmem>> -> memref<1x112x128xf32, #tpu.memory_space<vmem>>
      %dma_start3A_137 = tpu.memref_squeeze %dma_start3A_136 : memref<1x112x128xf32, #tpu.memory_space<vmem>> -> memref<112x128xf32, #tpu.memory_space<vmem>>
      %dma_start3A_138 = arith.constant 0 : i32
      %dma_start3A_139 = arith.constant 0 : i32
      %dma_start3A_140 = tpu.memref_slice %dma_start3A_137[%dma_start3A_138, %dma_start3A_139] : memref<112x128xf32, #tpu.memory_space<vmem>> -> memref<112x128xf32, #tpu.memory_space<vmem>>
      %dma_start3A_141 = arith.constant 0 : i32
      %dma_start3A_142 = tpu.memref_slice %arg11[%add3A_52, %dma_start3A_141] : memref<10112x128xf32, #tpu.memory_space<vmem_shared>> -> memref<112x128xf32, #tpu.memory_space<vmem_shared>>
      %dma_start3A_143 = arith.constant 0 : i32
      %dma_start3A_144 = tpu.memref_slice %arg11[%add3A_52, %dma_start3A_143] : memref<10112x128xf32, #tpu.memory_space<vmem_shared>> -> memref<112x128xf32, #tpu.memory_space<vmem_shared>>
      %dma_start3A_145 = arith.constant 0 : i32
      %dma_start3A_146 = arith.constant 0 : i32
      %dma_start3A_147 = tpu.memref_slice %arg9[%run_scoped3A_53, %dma_start3A_145, %dma_start3A_146] : memref<2x112x128xf32, #tpu.memory_space<vmem>> -> memref<1x112x128xf32, #tpu.memory_space<vmem>>
      %dma_start3A_148 = tpu.memref_squeeze %dma_start3A_147 : memref<1x112x128xf32, #tpu.memory_space<vmem>> -> memref<112x128xf32, #tpu.memory_space<vmem>>
      %dma_start3A_149 = arith.constant 0 : i32
      %dma_start3A_150 = arith.constant 0 : i32
      %dma_start3A_151 = tpu.memref_slice %dma_start3A_148[%dma_start3A_149, %dma_start3A_150] : memref<112x128xf32, #tpu.memory_space<vmem>> -> memref<112x128xf32, #tpu.memory_space<vmem>>
      tpu.enqueue_dma source(%dma_start3A_151 : memref<112x128xf32, #tpu.memory_space<vmem>>) target(%dma_start3A_144 : memref<112x128xf32, #tpu.memory_space<vmem_shared>>) target_semaphore(%run_scoped3A_133 : memref<!tpu.dma_semaphore, #tpu.memory_space<semaphore_mem>>)
      %dma_wait3A_152 = arith.constant 0 : i32
      %dma_wait3A_153 = arith.constant 0 : i32
      %dma_wait3A_154 = tpu.memref_slice %arg9[%run_scoped3A_53, %dma_wait3A_152, %dma_wait3A_153] : memref<2x112x128xf32, #tpu.memory_space<vmem>> -> memref<1x112x128xf32, #tpu.memory_space<vmem>>
      %dma_wait3A_155 = tpu.memref_squeeze %dma_wait3A_154 : memref<1x112x128xf32, #tpu.memory_space<vmem>> -> memref<112x128xf32, #tpu.memory_space<vmem>>
      %dma_wait3A_156 = arith.constant 0 : i32
      %dma_wait3A_157 = arith.constant 0 : i32
      %dma_wait3A_158 = tpu.memref_slice %dma_wait3A_155[%dma_wait3A_156, %dma_wait3A_157] : memref<112x128xf32, #tpu.memory_space<vmem>> -> memref<112x128xf32, #tpu.memory_space<vmem>>
      %dma_wait3A_159 = arith.constant 0 : i32
      %dma_wait3A_160 = tpu.memref_slice %arg11[%add3A_52, %dma_wait3A_159] : memref<10112x128xf32, #tpu.memory_space<vmem_shared>> -> memref<112x128xf32, #tpu.memory_space<vmem_shared>>
      %dma_wait3A_161 = arith.constant 0 : i32
      %dma_wait3A_162 = tpu.memref_slice %arg11[%add3A_52, %dma_wait3A_161] : memref<10112x128xf32, #tpu.memory_space<vmem_shared>> -> memref<112x128xf32, #tpu.memory_space<vmem_shared>>
      %dma_wait3A_163 = arith.constant 0 : i32
      %dma_wait3A_164 = arith.constant 0 : i32
      %dma_wait3A_165 = tpu.memref_slice %arg9[%run_scoped3A_53, %dma_wait3A_163, %dma_wait3A_164] : memref<2x112x128xf32, #tpu.memory_space<vmem>> -> memref<1x112x128xf32, #tpu.memory_space<vmem>>
      %dma_wait3A_166 = tpu.memref_squeeze %dma_wait3A_165 : memref<1x112x128xf32, #tpu.memory_space<vmem>> -> memref<112x128xf32, #tpu.memory_space<vmem>>
      %dma_wait3A_167 = arith.constant 0 : i32
      %dma_wait3A_168 = arith.constant 0 : i32
      %dma_wait3A_169 = tpu.memref_slice %dma_wait3A_166[%dma_wait3A_167, %dma_wait3A_168] : memref<112x128xf32, #tpu.memory_space<vmem>> -> memref<112x128xf32, #tpu.memory_space<vmem>>
      tpu.wait_dma2 semaphore(%run_scoped3A_133 : memref<!tpu.dma_semaphore, #tpu.memory_space<semaphore_mem>>) src(%dma_wait3A_169 : memref<112x128xf32, #tpu.memory_space<vmem>>) dst(%dma_wait3A_162 : memref<112x128xf32, #tpu.memory_space<vmem_shared>>)
      tpu.yield
    }) : () -> ()
    %add3A_54 = arith.constant 560 : i32
    %add3A_55 = arith.addi %mul3A_2, %add3A_54 : i32
    %run_scoped3A_56 = arith.constant 1 : i32
    "tpu.region"() ({
      %run_scoped3A_133 = tpu.sem_alloc : memref<!tpu.dma_semaphore, #tpu.memory_space<semaphore_mem>>
      %dma_start3A_134 = arith.constant 0 : i32
      %dma_start3A_135 = arith.constant 0 : i32
      %dma_start3A_136 = tpu.memref_slice %arg9[%run_scoped3A_56, %dma_start3A_134, %dma_start3A_135] : memref<2x112x128xf32, #tpu.memory_space<vmem>> -> memref<1x112x128xf32, #tpu.memory_space<vmem>>
      %dma_start3A_137 = tpu.memref_squeeze %dma_start3A_136 : memref<1x112x128xf32, #tpu.memory_space<vmem>> -> memref<112x128xf32, #tpu.memory_space<vmem>>
      %dma_start3A_138 = arith.constant 0 : i32
      %dma_start3A_139 = arith.constant 0 : i32
      %dma_start3A_140 = tpu.memref_slice %dma_start3A_137[%dma_start3A_138, %dma_start3A_139] : memref<112x128xf32, #tpu.memory_space<vmem>> -> memref<72x128xf32, #tpu.memory_space<vmem>>
      %dma_start3A_141 = arith.constant 0 : i32
      %dma_start3A_142 = tpu.memref_slice %arg11[%add3A_55, %dma_start3A_141] : memref<10112x128xf32, #tpu.memory_space<vmem_shared>> -> memref<72x128xf32, #tpu.memory_space<vmem_shared>>
      %dma_start3A_143 = arith.constant 0 : i32
      %dma_start3A_144 = tpu.memref_slice %arg11[%add3A_55, %dma_start3A_143] : memref<10112x128xf32, #tpu.memory_space<vmem_shared>> -> memref<72x128xf32, #tpu.memory_space<vmem_shared>>
      %dma_start3A_145 = arith.constant 0 : i32
      %dma_start3A_146 = arith.constant 0 : i32
      %dma_start3A_147 = tpu.memref_slice %arg9[%run_scoped3A_56, %dma_start3A_145, %dma_start3A_146] : memref<2x112x128xf32, #tpu.memory_space<vmem>> -> memref<1x112x128xf32, #tpu.memory_space<vmem>>
      %dma_start3A_148 = tpu.memref_squeeze %dma_start3A_147 : memref<1x112x128xf32, #tpu.memory_space<vmem>> -> memref<112x128xf32, #tpu.memory_space<vmem>>
      %dma_start3A_149 = arith.constant 0 : i32
      %dma_start3A_150 = arith.constant 0 : i32
      %dma_start3A_151 = tpu.memref_slice %dma_start3A_148[%dma_start3A_149, %dma_start3A_150] : memref<112x128xf32, #tpu.memory_space<vmem>> -> memref<72x128xf32, #tpu.memory_space<vmem>>
      tpu.enqueue_dma source(%dma_start3A_151 : memref<72x128xf32, #tpu.memory_space<vmem>>) target(%dma_start3A_144 : memref<72x128xf32, #tpu.memory_space<vmem_shared>>) target_semaphore(%run_scoped3A_133 : memref<!tpu.dma_semaphore, #tpu.memory_space<semaphore_mem>>)
      %dma_wait3A_152 = arith.constant 0 : i32
      %dma_wait3A_153 = arith.constant 0 : i32
      %dma_wait3A_154 = tpu.memref_slice %arg9[%run_scoped3A_56, %dma_wait3A_152, %dma_wait3A_153] : memref<2x112x128xf32, #tpu.memory_space<vmem>> -> memref<1x112x128xf32, #tpu.memory_space<vmem>>
      %dma_wait3A_155 = tpu.memref_squeeze %dma_wait3A_154 : memref<1x112x128xf32, #tpu.memory_space<vmem>> -> memref<112x128xf32, #tpu.memory_space<vmem>>
      %dma_wait3A_156 = arith.constant 0 : i32
      %dma_wait3A_157 = arith.constant 0 : i32
      %dma_wait3A_158 = tpu.memref_slice %dma_wait3A_155[%dma_wait3A_156, %dma_wait3A_157] : memref<112x128xf32, #tpu.memory_space<vmem>> -> memref<72x128xf32, #tpu.memory_space<vmem>>
      %dma_wait3A_159 = arith.constant 0 : i32
      %dma_wait3A_160 = tpu.memref_slice %arg11[%add3A_55, %dma_wait3A_159] : memref<10112x128xf32, #tpu.memory_space<vmem_shared>> -> memref<72x128xf32, #tpu.memory_space<vmem_shared>>
      %dma_wait3A_161 = arith.constant 0 : i32
      %dma_wait3A_162 = tpu.memref_slice %arg11[%add3A_55, %dma_wait3A_161] : memref<10112x128xf32, #tpu.memory_space<vmem_shared>> -> memref<72x128xf32, #tpu.memory_space<vmem_shared>>
      %dma_wait3A_163 = arith.constant 0 : i32
      %dma_wait3A_164 = arith.constant 0 : i32
      %dma_wait3A_165 = tpu.memref_slice %arg9[%run_scoped3A_56, %dma_wait3A_163, %dma_wait3A_164] : memref<2x112x128xf32, #tpu.memory_space<vmem>> -> memref<1x112x128xf32, #tpu.memory_space<vmem>>
      %dma_wait3A_166 = tpu.memref_squeeze %dma_wait3A_165 : memref<1x112x128xf32, #tpu.memory_space<vmem>> -> memref<112x128xf32, #tpu.memory_space<vmem>>
      %dma_wait3A_167 = arith.constant 0 : i32
      %dma_wait3A_168 = arith.constant 0 : i32
      %dma_wait3A_169 = tpu.memref_slice %dma_wait3A_166[%dma_wait3A_167, %dma_wait3A_168] : memref<112x128xf32, #tpu.memory_space<vmem>> -> memref<72x128xf32, #tpu.memory_space<vmem>>
      tpu.wait_dma2 semaphore(%run_scoped3A_133 : memref<!tpu.dma_semaphore, #tpu.memory_space<semaphore_mem>>) src(%dma_wait3A_169 : memref<72x128xf32, #tpu.memory_space<vmem>>) dst(%dma_wait3A_162 : memref<72x128xf32, #tpu.memory_space<vmem_shared>>)
      tpu.yield
    }) : () -> ()
    %barrier3A = arith.constant 0 : index
    tpu.barrier barrier_id(%barrier3A)
    %broadcast_in_dim3A = arith.constant 1.000000e+00 : f32
    %broadcast_in_dim3A_57 = vector.broadcast %broadcast_in_dim3A : f32 to vector<16xf32>
    %scan3A = arith.constant 0 : i32
    %scan3A_58 = arith.constant 0 : i32
    %scan3A_59 = arith.constant 89 : i32
    %scan3A_60 = arith.addi %scan3A_58, %scan3A_59 : i32
    %scan3A_61 = arith.constant 1 : i32
    scf.for %scan3A_133 = %scan3A_58 to %scan3A_60 step %scan3A_61  : i32 {
      %rem3A_134 = arith.constant 2 : i32
      %rem3A_135 = arith.remsi %scan3A_133, %rem3A_134 : i32
      %sub3A_136 = arith.constant 1 : i32
      %sub3A_137 = arith.subi %sub3A_136, %rem3A_135 : i32
      %dma_wait3A_138 = arith.constant 0 : i32
      %dma_wait3A_139 = arith.constant 0 : i32
      %dma_wait3A_140 = arith.constant 0 : i32
      %dma_wait3A_141 = tpu.memref_slice %arg9[%rem3A_135, %dma_wait3A_139, %dma_wait3A_140] : memref<2x112x128xf32, #tpu.memory_space<vmem>> -> memref<1x112x128xf32, #tpu.memory_space<vmem>>
      %dma_wait3A_142 = tpu.memref_squeeze %dma_wait3A_141 : memref<1x112x128xf32, #tpu.memory_space<vmem>> -> memref<112x128xf32, #tpu.memory_space<vmem>>
      %dma_wait3A_143 = arith.constant 0 : i32
      %dma_wait3A_144 = arith.constant 0 : i32
      %dma_wait3A_145 = tpu.memref_slice %arg8[%rem3A_135, %dma_wait3A_143, %dma_wait3A_144] : memref<2x2x112xi32, #tpu.memory_space<vmem>> -> memref<1x2x112xi32, #tpu.memory_space<vmem>>
      %dma_wait3A_146 = tpu.memref_squeeze %dma_wait3A_145 : memref<1x2x112xi32, #tpu.memory_space<vmem>> -> memref<2x112xi32, #tpu.memory_space<vmem>>
      %dma_wait3A_147 = arith.constant 0 : i32
      %dma_wait3A_148 = tpu.memref_slice %dma_wait3A_146[%dma_wait3A_138, %dma_wait3A_147] : memref<2x112xi32, #tpu.memory_space<vmem>> -> memref<1x112xi32, #tpu.memory_space<vmem>>
      %dma_wait3A_149 = tpu.memref_squeeze %dma_wait3A_148 : memref<1x112xi32, #tpu.memory_space<vmem>> -> memref<112xi32, #tpu.memory_space<vmem>>
      %dma_wait3A_150 = arith.constant 0 : i32
      %dma_wait3A_151 = arith.constant 0 : i32
      %dma_wait3A_152 = tpu.memref_slice %arg2[%dma_wait3A_150, %dma_wait3A_151] : memref<10000x128xf32, #tpu.memory_space<hbm>> -> memref<10000x128xf32, #tpu.memory_space<hbm>>
      tpu.wait_indirect_dma semaphore(%arg12 : memref<!tpu.dma_semaphore, #tpu.memory_space<semaphore_mem>>) src(%dma_wait3A_152 : memref<10000x128xf32, #tpu.memory_space<hbm>>) dst(%dma_wait3A_142 : memref<112x128xf32, #tpu.memory_space<vmem>>)
      %dma_wait3A_153 = arith.constant 0 : i32
      %dma_wait3A_154 = arith.constant 0 : i32
      %dma_wait3A_155 = arith.constant 0 : i32
      %dma_wait3A_156 = tpu.memref_slice %arg8[%sub3A_137, %dma_wait3A_154, %dma_wait3A_155] : memref<2x2x112xi32, #tpu.memory_space<vmem>> -> memref<1x2x112xi32, #tpu.memory_space<vmem>>
      %dma_wait3A_157 = tpu.memref_squeeze %dma_wait3A_156 : memref<1x2x112xi32, #tpu.memory_space<vmem>> -> memref<2x112xi32, #tpu.memory_space<vmem>>
      %dma_wait3A_158 = arith.constant 0 : i32
      %dma_wait3A_159 = arith.constant 0 : i32
      %dma_wait3A_160 = tpu.memref_slice %arg3[%add3A, %dma_wait3A_153, %dma_wait3A_158, %dma_wait3A_159] : memref<32x91x2x112xi32, #tpu.memory_space<hbm>> -> memref<1x1x2x112xi32, #tpu.memory_space<hbm>>
      %dma_wait3A_161 = tpu.memref_squeeze %dma_wait3A_160 : memref<1x1x2x112xi32, #tpu.memory_space<hbm>> -> memref<2x112xi32, #tpu.memory_space<hbm>>
      %dma_wait3A_162 = arith.constant 0 : i32
      %dma_wait3A_163 = arith.constant 0 : i32
      %dma_wait3A_164 = tpu.memref_slice %arg8[%sub3A_137, %dma_wait3A_162, %dma_wait3A_163] : memref<2x2x112xi32, #tpu.memory_space<vmem>> -> memref<1x2x112xi32, #tpu.memory_space<vmem>>
      %dma_wait3A_165 = tpu.memref_squeeze %dma_wait3A_164 : memref<1x2x112xi32, #tpu.memory_space<vmem>> -> memref<2x112xi32, #tpu.memory_space<vmem>>
      %dma_wait3A_166 = arith.constant 0 : i32
      %dma_wait3A_167 = arith.constant 0 : i32
      %dma_wait3A_168 = tpu.memref_slice %arg3[%add3A, %dma_wait3A_153, %dma_wait3A_166, %dma_wait3A_167] : memref<32x91x2x112xi32, #tpu.memory_space<hbm>> -> memref<1x1x2x112xi32, #tpu.memory_space<hbm>>
      %dma_wait3A_169 = tpu.memref_squeeze %dma_wait3A_168 : memref<1x1x2x112xi32, #tpu.memory_space<hbm>> -> memref<2x112xi32, #tpu.memory_space<hbm>>
      tpu.wait_dma2 semaphore(%arg13 : memref<!tpu.dma_semaphore, #tpu.memory_space<semaphore_mem>>) src(%dma_wait3A_169 : memref<2x112xi32, #tpu.memory_space<hbm>>) dst(%dma_wait3A_165 : memref<2x112xi32, #tpu.memory_space<vmem>>)
      %dma_start3A_170 = arith.constant 0 : i32
      %dma_start3A_171 = arith.constant 0 : i32
      %dma_start3A_172 = arith.constant 0 : i32
      %dma_start3A_173 = tpu.memref_slice %arg9[%sub3A_137, %dma_start3A_171, %dma_start3A_172] : memref<2x112x128xf32, #tpu.memory_space<vmem>> -> memref<1x112x128xf32, #tpu.memory_space<vmem>>
      %dma_start3A_174 = tpu.memref_squeeze %dma_start3A_173 : memref<1x112x128xf32, #tpu.memory_space<vmem>> -> memref<112x128xf32, #tpu.memory_space<vmem>>
      %dma_start3A_175 = arith.constant 0 : i32
      %dma_start3A_176 = arith.constant 0 : i32
      %dma_start3A_177 = tpu.memref_slice %arg8[%sub3A_137, %dma_start3A_175, %dma_start3A_176] : memref<2x2x112xi32, #tpu.memory_space<vmem>> -> memref<1x2x112xi32, #tpu.memory_space<vmem>>
      %dma_start3A_178 = tpu.memref_squeeze %dma_start3A_177 : memref<1x2x112xi32, #tpu.memory_space<vmem>> -> memref<2x112xi32, #tpu.memory_space<vmem>>
      %dma_start3A_179 = arith.constant 0 : i32
      %dma_start3A_180 = tpu.memref_slice %dma_start3A_178[%dma_start3A_170, %dma_start3A_179] : memref<2x112xi32, #tpu.memory_space<vmem>> -> memref<1x112xi32, #tpu.memory_space<vmem>>
      %dma_start3A_181 = tpu.memref_squeeze %dma_start3A_180 : memref<1x112xi32, #tpu.memory_space<vmem>> -> memref<112xi32, #tpu.memory_space<vmem>>
      %dma_start3A_182 = arith.constant 0 : i32
      %dma_start3A_183 = arith.constant 0 : i32
      %dma_start3A_184 = tpu.memref_slice %arg2[%dma_start3A_182, %dma_start3A_183] : memref<10000x128xf32, #tpu.memory_space<hbm>> -> memref<10000x128xf32, #tpu.memory_space<hbm>>
      tpu.enqueue_indirect_dma source(%dma_start3A_184 : memref<10000x128xf32, #tpu.memory_space<hbm>>) target(%dma_start3A_174 : memref<112x128xf32, #tpu.memory_space<vmem>>) offsets(%dma_start3A_181 : memref<112xi32, #tpu.memory_space<vmem>>) semaphore(%arg12 : memref<!tpu.dma_semaphore, #tpu.memory_space<semaphore_mem>>)
      %run_scoped3A_185 = arith.constant 1 : i32
      "tpu.region"() ({
        %run_scoped3A_239 = tpu.sem_alloc : memref<!tpu.dma_semaphore, #tpu.memory_space<semaphore_mem>>
        %dma_start3A_240 = arith.constant 0 : i32
        %dma_start3A_241 = arith.constant 0 : i32
        %dma_start3A_242 = tpu.memref_slice %arg9[%rem3A_135, %dma_start3A_240, %dma_start3A_241] : memref<2x112x128xf32, #tpu.memory_space<vmem>> -> memref<1x112x128xf32, #tpu.memory_space<vmem>>
        %dma_start3A_243 = tpu.memref_squeeze %dma_start3A_242 : memref<1x112x128xf32, #tpu.memory_space<vmem>> -> memref<112x128xf32, #tpu.memory_space<vmem>>
        %dma_start3A_244 = arith.constant 0 : i32
        %dma_start3A_245 = arith.constant 0 : i32
        %dma_start3A_246 = tpu.memref_slice %arg8[%rem3A_135, %dma_start3A_244, %dma_start3A_245] : memref<2x2x112xi32, #tpu.memory_space<vmem>> -> memref<1x2x112xi32, #tpu.memory_space<vmem>>
        %dma_start3A_247 = tpu.memref_squeeze %dma_start3A_246 : memref<1x2x112xi32, #tpu.memory_space<vmem>> -> memref<2x112xi32, #tpu.memory_space<vmem>>
        %dma_start3A_248 = arith.constant 0 : i32
        %dma_start3A_249 = tpu.memref_slice %dma_start3A_247[%run_scoped3A_185, %dma_start3A_248] : memref<2x112xi32, #tpu.memory_space<vmem>> -> memref<1x112xi32, #tpu.memory_space<vmem>>
        %dma_start3A_250 = tpu.memref_squeeze %dma_start3A_249 : memref<1x112xi32, #tpu.memory_space<vmem>> -> memref<112xi32, #tpu.memory_space<vmem>>
        %dma_start3A_251 = arith.constant 0 : i32
        %dma_start3A_252 = arith.constant 0 : i32
        %dma_start3A_253 = tpu.memref_slice %arg11[%dma_start3A_251, %dma_start3A_252] : memref<10112x128xf32, #tpu.memory_space<vmem_shared>> -> memref<10112x128xf32, #tpu.memory_space<vmem_shared>>
        tpu.enqueue_indirect_dma source(%dma_start3A_243 : memref<112x128xf32, #tpu.memory_space<vmem>>) target(%dma_start3A_253 : memref<10112x128xf32, #tpu.memory_space<vmem_shared>>) offsets(%dma_start3A_250 : memref<112xi32, #tpu.memory_space<vmem>>) semaphore(%run_scoped3A_239 : memref<!tpu.dma_semaphore, #tpu.memory_space<semaphore_mem>>) {add = true}
        %dma_wait3A_254 = arith.constant 0 : i32
        %dma_wait3A_255 = arith.constant 0 : i32
        %dma_wait3A_256 = tpu.memref_slice %arg9[%rem3A_135, %dma_wait3A_254, %dma_wait3A_255] : memref<2x112x128xf32, #tpu.memory_space<vmem>> -> memref<1x112x128xf32, #tpu.memory_space<vmem>>
        %dma_wait3A_257 = tpu.memref_squeeze %dma_wait3A_256 : memref<1x112x128xf32, #tpu.memory_space<vmem>> -> memref<112x128xf32, #tpu.memory_space<vmem>>
        %dma_wait3A_258 = arith.constant 0 : i32
        %dma_wait3A_259 = arith.constant 0 : i32
        %dma_wait3A_260 = tpu.memref_slice %arg8[%rem3A_135, %dma_wait3A_258, %dma_wait3A_259] : memref<2x2x112xi32, #tpu.memory_space<vmem>> -> memref<1x2x112xi32, #tpu.memory_space<vmem>>
        %dma_wait3A_261 = tpu.memref_squeeze %dma_wait3A_260 : memref<1x2x112xi32, #tpu.memory_space<vmem>> -> memref<2x112xi32, #tpu.memory_space<vmem>>
        %dma_wait3A_262 = arith.constant 0 : i32
        %dma_wait3A_263 = tpu.memref_slice %dma_wait3A_261[%run_scoped3A_185, %dma_wait3A_262] : memref<2x112xi32, #tpu.memory_space<vmem>> -> memref<1x112xi32, #tpu.memory_space<vmem>>
        %dma_wait3A_264 = tpu.memref_squeeze %dma_wait3A_263 : memref<1x112xi32, #tpu.memory_space<vmem>> -> memref<112xi32, #tpu.memory_space<vmem>>
        %dma_wait3A_265 = arith.constant 0 : i32
        %dma_wait3A_266 = arith.constant 0 : i32
        %dma_wait3A_267 = tpu.memref_slice %arg11[%dma_wait3A_265, %dma_wait3A_266] : memref<10112x128xf32, #tpu.memory_space<vmem_shared>> -> memref<10112x128xf32, #tpu.memory_space<vmem_shared>>
        tpu.wait_indirect_dma semaphore(%run_scoped3A_239 : memref<!tpu.dma_semaphore, #tpu.memory_space<semaphore_mem>>) src(%dma_wait3A_257 : memref<112x128xf32, #tpu.memory_space<vmem>>) dst(%dma_wait3A_267 : memref<10112x128xf32, #tpu.memory_space<vmem_shared>>)
        tpu.yield
      }) : () -> ()
      %get3A_186 = arith.constant 1 : i32
      %get3A_187 = arith.index_cast %rem3A_135 : i32 to index
      %get3A_188 = arith.index_cast %get3A_186 : i32 to index
      %get3A_189 = arith.constant 0 : index
      %get3A_190 = tpu.vector_load %arg8[%get3A_187, %get3A_188, %get3A_189] {strides = array<i32>} : memref<2x2x112xi32, #tpu.memory_space<vmem>>, vector<16xi32>,
      tpu.vector_store_idx %arg10[%get3A_190], %broadcast_in_dim3A_57 {add = true} : memref<10112xf32, #tpu.memory_space<vmem>>[vector<16xi32>], vector<16xf32>,
      %get3A_191 = arith.constant 1 : i32
      %get3A_192 = arith.index_cast %rem3A_135 : i32 to index
      %get3A_193 = arith.index_cast %get3A_191 : i32 to index
      %get3A_194 = arith.constant 16 : index
      %get3A_195 = tpu.vector_load %arg8[%get3A_192, %get3A_193, %get3A_194] {strides = array<i32>} : memref<2x2x112xi32, #tpu.memory_space<vmem>>, vector<16xi32>,
      tpu.vector_store_idx %arg10[%get3A_195], %broadcast_in_dim3A_57 {add = true} : memref<10112xf32, #tpu.memory_space<vmem>>[vector<16xi32>], vector<16xf32>,
      %get3A_196 = arith.constant 1 : i32
      %get3A_197 = arith.index_cast %rem3A_135 : i32 to index
      %get3A_198 = arith.index_cast %get3A_196 : i32 to index
      %get3A_199 = arith.constant 32 : index
      %get3A_200 = tpu.vector_load %arg8[%get3A_197, %get3A_198, %get3A_199] {strides = array<i32>} : memref<2x2x112xi32, #tpu.memory_space<vmem>>, vector<16xi32>,
      tpu.vector_store_idx %arg10[%get3A_200], %broadcast_in_dim3A_57 {add = true} : memref<10112xf32, #tpu.memory_space<vmem>>[vector<16xi32>], vector<16xf32>,
      %get3A_201 = arith.constant 1 : i32
      %get3A_202 = arith.index_cast %rem3A_135 : i32 to index
      %get3A_203 = arith.index_cast %get3A_201 : i32 to index
      %get3A_204 = arith.constant 48 : index
      %get3A_205 = tpu.vector_load %arg8[%get3A_202, %get3A_203, %get3A_204] {strides = array<i32>} : memref<2x2x112xi32, #tpu.memory_space<vmem>>, vector<16xi32>,
      tpu.vector_store_idx %arg10[%get3A_205], %broadcast_in_dim3A_57 {add = true} : memref<10112xf32, #tpu.memory_space<vmem>>[vector<16xi32>], vector<16xf32>,
      %get3A_206 = arith.constant 1 : i32
      %get3A_207 = arith.index_cast %rem3A_135 : i32 to index
      %get3A_208 = arith.index_cast %get3A_206 : i32 to index
      %get3A_209 = arith.constant 64 : index
      %get3A_210 = tpu.vector_load %arg8[%get3A_207, %get3A_208, %get3A_209] {strides = array<i32>} : memref<2x2x112xi32, #tpu.memory_space<vmem>>, vector<16xi32>,
      tpu.vector_store_idx %arg10[%get3A_210], %broadcast_in_dim3A_57 {add = true} : memref<10112xf32, #tpu.memory_space<vmem>>[vector<16xi32>], vector<16xf32>,
      %get3A_211 = arith.constant 1 : i32
      %get3A_212 = arith.index_cast %rem3A_135 : i32 to index
      %get3A_213 = arith.index_cast %get3A_211 : i32 to index
      %get3A_214 = arith.constant 80 : index
      %get3A_215 = tpu.vector_load %arg8[%get3A_212, %get3A_213, %get3A_214] {strides = array<i32>} : memref<2x2x112xi32, #tpu.memory_space<vmem>>, vector<16xi32>,
      tpu.vector_store_idx %arg10[%get3A_215], %broadcast_in_dim3A_57 {add = true} : memref<10112xf32, #tpu.memory_space<vmem>>[vector<16xi32>], vector<16xf32>,
      %get3A_216 = arith.constant 1 : i32
      %get3A_217 = arith.index_cast %rem3A_135 : i32 to index
      %get3A_218 = arith.index_cast %get3A_216 : i32 to index
      %get3A_219 = arith.constant 96 : index
      %get3A_220 = tpu.vector_load %arg8[%get3A_217, %get3A_218, %get3A_219] {strides = array<i32>} : memref<2x2x112xi32, #tpu.memory_space<vmem>>, vector<16xi32>,
      tpu.vector_store_idx %arg10[%get3A_220], %broadcast_in_dim3A_57 {add = true} : memref<10112xf32, #tpu.memory_space<vmem>>[vector<16xi32>], vector<16xf32>,
      %add3A_221 = arith.constant 2 : i32
      %add3A_222 = arith.addi %scan3A_133, %add3A_221 : i32
      %dma_start3A_223 = arith.constant 0 : i32
      %dma_start3A_224 = arith.constant 0 : i32
      %dma_start3A_225 = tpu.memref_slice %arg8[%rem3A_135, %dma_start3A_223, %dma_start3A_224] : memref<2x2x112xi32, #tpu.memory_space<vmem>> -> memref<1x2x112xi32, #tpu.memory_space<vmem>>
      %dma_start3A_226 = tpu.memref_squeeze %dma_start3A_225 : memref<1x2x112xi32, #tpu.memory_space<vmem>> -> memref<2x112xi32, #tpu.memory_space<vmem>>
      %dma_start3A_227 = arith.constant 0 : i32
      %dma_start3A_228 = arith.constant 0 : i32
      %dma_start3A_229 = tpu.memref_slice %arg3[%add3A, %add3A_222, %dma_start3A_227, %dma_start3A_228] : memref<32x91x2x112xi32, #tpu.memory_space<hbm>> -> memref<1x1x2x112xi32, #tpu.memory_space<hbm>>
      %dma_start3A_230 = tpu.memref_squeeze %dma_start3A_229 : memref<1x1x2x112xi32, #tpu.memory_space<hbm>> -> memref<2x112xi32, #tpu.memory_space<hbm>>
      %dma_start3A_231 = arith.constant 0 : i32
      %dma_start3A_232 = arith.constant 0 : i32
      %dma_start3A_233 = tpu.memref_slice %arg8[%rem3A_135, %dma_start3A_231, %dma_start3A_232] : memref<2x2x112xi32, #tpu.memory_space<vmem>> -> memref<1x2x112xi32, #tpu.memory_space<vmem>>
      %dma_start3A_234 = tpu.memref_squeeze %dma_start3A_233 : memref<1x2x112xi32, #tpu.memory_space<vmem>> -> memref<2x112xi32, #tpu.memory_space<vmem>>
      %dma_start3A_235 = arith.constant 0 : i32
      %dma_start3A_236 = arith.constant 0 : i32
      %dma_start3A_237 = tpu.memref_slice %arg3[%add3A, %add3A_222, %dma_start3A_235, %dma_start3A_236] : memref<32x91x2x112xi32, #tpu.memory_space<hbm>> -> memref<1x1x2x112xi32, #tpu.memory_space<hbm>>
      %dma_start3A_238 = tpu.memref_squeeze %dma_start3A_237 : memref<1x1x2x112xi32, #tpu.memory_space<hbm>> -> memref<2x112xi32, #tpu.memory_space<hbm>>
      tpu.enqueue_dma source(%dma_start3A_238 : memref<2x112xi32, #tpu.memory_space<hbm>>) target(%dma_start3A_234 : memref<2x112xi32, #tpu.memory_space<vmem>>) target_semaphore(%arg13 : memref<!tpu.dma_semaphore, #tpu.memory_space<semaphore_mem>>)
    }
    %scan3A_62 = arith.constant 89 : i32
    %rem3A = arith.constant 89 : i32
    %rem3A_63 = arith.constant 2 : i32
    %rem3A_64 = arith.remsi %rem3A, %rem3A_63 : i32
    %dma_wait3A = arith.constant 0 : i32
    %dma_wait3A_65 = arith.constant 0 : i32
    %dma_wait3A_66 = arith.constant 0 : i32
    %dma_wait3A_67 = tpu.memref_slice %arg9[%rem3A_64, %dma_wait3A_65, %dma_wait3A_66] : memref<2x112x128xf32, #tpu.memory_space<vmem>> -> memref<1x112x128xf32, #tpu.memory_space<vmem>>
    %dma_wait3A_68 = tpu.memref_squeeze %dma_wait3A_67 : memref<1x112x128xf32, #tpu.memory_space<vmem>> -> memref<112x128xf32, #tpu.memory_space<vmem>>
    %dma_wait3A_69 = arith.constant 0 : i32
    %dma_wait3A_70 = arith.constant 0 : i32
    %dma_wait3A_71 = tpu.memref_slice %arg8[%rem3A_64, %dma_wait3A_69, %dma_wait3A_70] : memref<2x2x112xi32, #tpu.memory_space<vmem>> -> memref<1x2x112xi32, #tpu.memory_space<vmem>>
    %dma_wait3A_72 = tpu.memref_squeeze %dma_wait3A_71 : memref<1x2x112xi32, #tpu.memory_space<vmem>> -> memref<2x112xi32, #tpu.memory_space<vmem>>
    %dma_wait3A_73 = arith.constant 0 : i32
    %dma_wait3A_74 = tpu.memref_slice %dma_wait3A_72[%dma_wait3A, %dma_wait3A_73] : memref<2x112xi32, #tpu.memory_space<vmem>> -> memref<1x112xi32, #tpu.memory_space<vmem>>
    %dma_wait3A_75 = tpu.memref_squeeze %dma_wait3A_74 : memref<1x112xi32, #tpu.memory_space<vmem>> -> memref<112xi32, #tpu.memory_space<vmem>>
    %dma_wait3A_76 = arith.constant 0 : i32
    %dma_wait3A_77 = arith.constant 0 : i32
    %dma_wait3A_78 = tpu.memref_slice %arg2[%dma_wait3A_76, %dma_wait3A_77] : memref<10000x128xf32, #tpu.memory_space<hbm>> -> memref<10000x128xf32, #tpu.memory_space<hbm>>
    tpu.wait_indirect_dma semaphore(%arg12 : memref<!tpu.dma_semaphore, #tpu.memory_space<semaphore_mem>>) src(%dma_wait3A_78 : memref<10000x128xf32, #tpu.memory_space<hbm>>) dst(%dma_wait3A_68 : memref<112x128xf32, #tpu.memory_space<vmem>>)
    %sub3A = arith.constant 1 : i32
    %sub3A_79 = arith.subi %sub3A, %rem3A_64 : i32
    %dma_wait3A_80 = arith.constant 0 : i32
    %dma_wait3A_81 = arith.constant 0 : i32
    %dma_wait3A_82 = arith.constant 0 : i32
    %dma_wait3A_83 = tpu.memref_slice %arg8[%sub3A_79, %dma_wait3A_81, %dma_wait3A_82] : memref<2x2x112xi32, #tpu.memory_space<vmem>> -> memref<1x2x112xi32, #tpu.memory_space<vmem>>
    %dma_wait3A_84 = tpu.memref_squeeze %dma_wait3A_83 : memref<1x2x112xi32, #tpu.memory_space<vmem>> -> memref<2x112xi32, #tpu.memory_space<vmem>>
    %dma_wait3A_85 = arith.constant 0 : i32
    %dma_wait3A_86 = arith.constant 0 : i32
    %dma_wait3A_87 = tpu.memref_slice %arg3[%add3A, %dma_wait3A_80, %dma_wait3A_85, %dma_wait3A_86] : memref<32x91x2x112xi32, #tpu.memory_space<hbm>> -> memref<1x1x2x112xi32, #tpu.memory_space<hbm>>
    %dma_wait3A_88 = tpu.memref_squeeze %dma_wait3A_87 : memref<1x1x2x112xi32, #tpu.memory_space<hbm>> -> memref<2x112xi32, #tpu.memory_space<hbm>>
    %dma_wait3A_89 = arith.constant 0 : i32
    %dma_wait3A_90 = arith.constant 0 : i32
    %dma_wait3A_91 = tpu.memref_slice %arg8[%sub3A_79, %dma_wait3A_89, %dma_wait3A_90] : memref<2x2x112xi32, #tpu.memory_space<vmem>> -> memref<1x2x112xi32, #tpu.memory_space<vmem>>
    %dma_wait3A_92 = tpu.memref_squeeze %dma_wait3A_91 : memref<1x2x112xi32, #tpu.memory_space<vmem>> -> memref<2x112xi32, #tpu.memory_space<vmem>>
    %dma_wait3A_93 = arith.constant 0 : i32
    %dma_wait3A_94 = arith.constant 0 : i32
    %dma_wait3A_95 = tpu.memref_slice %arg3[%add3A, %dma_wait3A_80, %dma_wait3A_93, %dma_wait3A_94] : memref<32x91x2x112xi32, #tpu.memory_space<hbm>> -> memref<1x1x2x112xi32, #tpu.memory_space<hbm>>
    %dma_wait3A_96 = tpu.memref_squeeze %dma_wait3A_95 : memref<1x1x2x112xi32, #tpu.memory_space<hbm>> -> memref<2x112xi32, #tpu.memory_space<hbm>>
    tpu.wait_dma2 semaphore(%arg13 : memref<!tpu.dma_semaphore, #tpu.memory_space<semaphore_mem>>) src(%dma_wait3A_96 : memref<2x112xi32, #tpu.memory_space<hbm>>) dst(%dma_wait3A_92 : memref<2x112xi32, #tpu.memory_space<vmem>>)
    %run_scoped3A_97 = arith.constant 1 : i32
    "tpu.region"() ({
      %run_scoped3A_133 = tpu.sem_alloc : memref<!tpu.dma_semaphore, #tpu.memory_space<semaphore_mem>>
      %dma_start3A_134 = arith.constant 0 : i32
      %dma_start3A_135 = arith.constant 0 : i32
      %dma_start3A_136 = tpu.memref_slice %arg9[%rem3A_64, %dma_start3A_134, %dma_start3A_135] : memref<2x112x128xf32, #tpu.memory_space<vmem>> -> memref<1x112x128xf32, #tpu.memory_space<vmem>>
      %dma_start3A_137 = tpu.memref_squeeze %dma_start3A_136 : memref<1x112x128xf32, #tpu.memory_space<vmem>> -> memref<112x128xf32, #tpu.memory_space<vmem>>
      %dma_start3A_138 = arith.constant 0 : i32
      %dma_start3A_139 = arith.constant 0 : i32
      %dma_start3A_140 = tpu.memref_slice %arg8[%rem3A_64, %dma_start3A_138, %dma_start3A_139] : memref<2x2x112xi32, #tpu.memory_space<vmem>> -> memref<1x2x112xi32, #tpu.memory_space<vmem>>
      %dma_start3A_141 = tpu.memref_squeeze %dma_start3A_140 : memref<1x2x112xi32, #tpu.memory_space<vmem>> -> memref<2x112xi32, #tpu.memory_space<vmem>>
      %dma_start3A_142 = arith.constant 0 : i32
      %dma_start3A_143 = tpu.memref_slice %dma_start3A_141[%run_scoped3A_97, %dma_start3A_142] : memref<2x112xi32, #tpu.memory_space<vmem>> -> memref<1x112xi32, #tpu.memory_space<vmem>>
      %dma_start3A_144 = tpu.memref_squeeze %dma_start3A_143 : memref<1x112xi32, #tpu.memory_space<vmem>> -> memref<112xi32, #tpu.memory_space<vmem>>
      %dma_start3A_145 = arith.constant 0 : i32
      %dma_start3A_146 = arith.constant 0 : i32
      %dma_start3A_147 = tpu.memref_slice %arg11[%dma_start3A_145, %dma_start3A_146] : memref<10112x128xf32, #tpu.memory_space<vmem_shared>> -> memref<10112x128xf32, #tpu.memory_space<vmem_shared>>
      tpu.enqueue_indirect_dma source(%dma_start3A_137 : memref<112x128xf32, #tpu.memory_space<vmem>>) target(%dma_start3A_147 : memref<10112x128xf32, #tpu.memory_space<vmem_shared>>) offsets(%dma_start3A_144 : memref<112xi32, #tpu.memory_space<vmem>>) semaphore(%run_scoped3A_133 : memref<!tpu.dma_semaphore, #tpu.memory_space<semaphore_mem>>) {add = true}
      %dma_wait3A_148 = arith.constant 0 : i32
      %dma_wait3A_149 = arith.constant 0 : i32
      %dma_wait3A_150 = tpu.memref_slice %arg9[%rem3A_64, %dma_wait3A_148, %dma_wait3A_149] : memref<2x112x128xf32, #tpu.memory_space<vmem>> -> memref<1x112x128xf32, #tpu.memory_space<vmem>>
      %dma_wait3A_151 = tpu.memref_squeeze %dma_wait3A_150 : memref<1x112x128xf32, #tpu.memory_space<vmem>> -> memref<112x128xf32, #tpu.memory_space<vmem>>
      %dma_wait3A_152 = arith.constant 0 : i32
      %dma_wait3A_153 = arith.constant 0 : i32
      %dma_wait3A_154 = tpu.memref_slice %arg8[%rem3A_64, %dma_wait3A_152, %dma_wait3A_153] : memref<2x2x112xi32, #tpu.memory_space<vmem>> -> memref<1x2x112xi32, #tpu.memory_space<vmem>>
      %dma_wait3A_155 = tpu.memref_squeeze %dma_wait3A_154 : memref<1x2x112xi32, #tpu.memory_space<vmem>> -> memref<2x112xi32, #tpu.memory_space<vmem>>
      %dma_wait3A_156 = arith.constant 0 : i32
      %dma_wait3A_157 = tpu.memref_slice %dma_wait3A_155[%run_scoped3A_97, %dma_wait3A_156] : memref<2x112xi32, #tpu.memory_space<vmem>> -> memref<1x112xi32, #tpu.memory_space<vmem>>
      %dma_wait3A_158 = tpu.memref_squeeze %dma_wait3A_157 : memref<1x112xi32, #tpu.memory_space<vmem>> -> memref<112xi32, #tpu.memory_space<vmem>>
      %dma_wait3A_159 = arith.constant 0 : i32
      %dma_wait3A_160 = arith.constant 0 : i32
      %dma_wait3A_161 = tpu.memref_slice %arg11[%dma_wait3A_159, %dma_wait3A_160] : memref<10112x128xf32, #tpu.memory_space<vmem_shared>> -> memref<10112x128xf32, #tpu.memory_space<vmem_shared>>
      tpu.wait_indirect_dma semaphore(%run_scoped3A_133 : memref<!tpu.dma_semaphore, #tpu.memory_space<semaphore_mem>>) src(%dma_wait3A_151 : memref<112x128xf32, #tpu.memory_space<vmem>>) dst(%dma_wait3A_161 : memref<10112x128xf32, #tpu.memory_space<vmem_shared>>)
      tpu.yield
    }) : () -> ()
    %get3A = arith.constant 1 : i32
    %get3A_98 = arith.index_cast %rem3A_64 : i32 to index
    %get3A_99 = arith.index_cast %get3A : i32 to index
    %get3A_100 = arith.constant 0 : index
    %get3A_101 = tpu.vector_load %arg8[%get3A_98, %get3A_99, %get3A_100] {strides = array<i32>} : memref<2x2x112xi32, #tpu.memory_space<vmem>>, vector<16xi32>,
    tpu.vector_store_idx %arg10[%get3A_101], %broadcast_in_dim3A_57 {add = true} : memref<10112xf32, #tpu.memory_space<vmem>>[vector<16xi32>], vector<16xf32>,
    %get3A_102 = arith.constant 1 : i32
    %get3A_103 = arith.index_cast %rem3A_64 : i32 to index
    %get3A_104 = arith.index_cast %get3A_102 : i32 to index
    %get3A_105 = arith.constant 16 : index
    %get3A_106 = tpu.vector_load %arg8[%get3A_103, %get3A_104, %get3A_105] {strides = array<i32>} : memref<2x2x112xi32, #tpu.memory_space<vmem>>, vector<16xi32>,
    tpu.vector_store_idx %arg10[%get3A_106], %broadcast_in_dim3A_57 {add = true} : memref<10112xf32, #tpu.memory_space<vmem>>[vector<16xi32>], vector<16xf32>,
    %get3A_107 = arith.constant 1 : i32
    %get3A_108 = arith.index_cast %rem3A_64 : i32 to index
    %get3A_109 = arith.index_cast %get3A_107 : i32 to index
    %get3A_110 = arith.constant 32 : index
    %get3A_111 = tpu.vector_load %arg8[%get3A_108, %get3A_109, %get3A_110] {strides = array<i32>} : memref<2x2x112xi32, #tpu.memory_space<vmem>>, vector<16xi32>,
    tpu.vector_store_idx %arg10[%get3A_111], %broadcast_in_dim3A_57 {add = true} : memref<10112xf32, #tpu.memory_space<vmem>>[vector<16xi32>], vector<16xf32>,
    %get3A_112 = arith.constant 1 : i32
    %get3A_113 = arith.index_cast %rem3A_64 : i32 to index
    %get3A_114 = arith.index_cast %get3A_112 : i32 to index
    %get3A_115 = arith.constant 48 : index
    %get3A_116 = tpu.vector_load %arg8[%get3A_113, %get3A_114, %get3A_115] {strides = array<i32>} : memref<2x2x112xi32, #tpu.memory_space<vmem>>, vector<16xi32>,
    tpu.vector_store_idx %arg10[%get3A_116], %broadcast_in_dim3A_57 {add = true} : memref<10112xf32, #tpu.memory_space<vmem>>[vector<16xi32>], vector<16xf32>,
    %get3A_117 = arith.constant 1 : i32
    %get3A_118 = arith.index_cast %rem3A_64 : i32 to index
    %get3A_119 = arith.index_cast %get3A_117 : i32 to index
    %get3A_120 = arith.constant 64 : index
    %get3A_121 = tpu.vector_load %arg8[%get3A_118, %get3A_119, %get3A_120] {strides = array<i32>} : memref<2x2x112xi32, #tpu.memory_space<vmem>>, vector<16xi32>,
    tpu.vector_store_idx %arg10[%get3A_121], %broadcast_in_dim3A_57 {add = true} : memref<10112xf32, #tpu.memory_space<vmem>>[vector<16xi32>], vector<16xf32>,
    %get3A_122 = arith.constant 1 : i32
    %get3A_123 = arith.index_cast %rem3A_64 : i32 to index
    %get3A_124 = arith.index_cast %get3A_122 : i32 to index
    %get3A_125 = arith.constant 80 : index
    %get3A_126 = tpu.vector_load %arg8[%get3A_123, %get3A_124, %get3A_125] {strides = array<i32>} : memref<2x2x112xi32, #tpu.memory_space<vmem>>, vector<16xi32>,
    tpu.vector_store_idx %arg10[%get3A_126], %broadcast_in_dim3A_57 {add = true} : memref<10112xf32, #tpu.memory_space<vmem>>[vector<16xi32>], vector<16xf32>,
    %get3A_127 = arith.constant 1 : i32
    %get3A_128 = arith.index_cast %rem3A_64 : i32 to index
    %get3A_129 = arith.index_cast %get3A_127 : i32 to index
    %get3A_130 = arith.constant 96 : index
    %get3A_131 = tpu.vector_load %arg8[%get3A_128, %get3A_129, %get3A_130] {strides = array<i32>} : memref<2x2x112xi32, #tpu.memory_space<vmem>>, vector<16xi32>,
    tpu.vector_store_idx %arg10[%get3A_131], %broadcast_in_dim3A_57 {add = true} : memref<10112xf32, #tpu.memory_space<vmem>>[vector<16xi32>], vector<16xf32>,
    %barrier3A_132 = arith.constant 0 : index
    tpu.barrier barrier_id(%barrier3A_132)
    "tpu.region"() ({
      %run_scoped3A_133 = tpu.sem_alloc : memref<!tpu.dma_semaphore, #tpu.memory_space<semaphore_mem>>
      %dma_start3A_134 = arith.constant 0 : i32
      %dma_start3A_135 = tpu.memref_slice %arg6[%arg0, %mul3A_2, %dma_start3A_134] : memref<2x10112x128xf32, #tpu.memory_space<hbm>> -> memref<1x632x128xf32, #tpu.memory_space<hbm>>
      %dma_start3A_136 = tpu.memref_squeeze %dma_start3A_135 : memref<1x632x128xf32, #tpu.memory_space<hbm>> -> memref<632x128xf32, #tpu.memory_space<hbm>>
      %dma_start3A_137 = arith.constant 0 : i32
      %dma_start3A_138 = tpu.memref_slice %arg11[%mul3A_2, %dma_start3A_137] : memref<10112x128xf32, #tpu.memory_space<vmem_shared>> -> memref<632x128xf32, #tpu.memory_space<vmem_shared>>
      tpu.enqueue_dma source(%dma_start3A_138 : memref<632x128xf32, #tpu.memory_space<vmem_shared>>) target(%dma_start3A_136 : memref<632x128xf32, #tpu.memory_space<hbm>>) target_semaphore(%run_scoped3A_133 : memref<!tpu.dma_semaphore, #tpu.memory_space<semaphore_mem>>)
      %dma_wait3A_139 = arith.constant 0 : i32
      %dma_wait3A_140 = tpu.memref_slice %arg6[%arg0, %mul3A_2, %dma_wait3A_139] : memref<2x10112x128xf32, #tpu.memory_space<hbm>> -> memref<1x632x128xf32, #tpu.memory_space<hbm>>
      %dma_wait3A_141 = tpu.memref_squeeze %dma_wait3A_140 : memref<1x632x128xf32, #tpu.memory_space<hbm>> -> memref<632x128xf32, #tpu.memory_space<hbm>>
      %dma_wait3A_142 = arith.constant 0 : i32
      %dma_wait3A_143 = tpu.memref_slice %arg11[%mul3A_2, %dma_wait3A_142] : memref<10112x128xf32, #tpu.memory_space<vmem_shared>> -> memref<632x128xf32, #tpu.memory_space<vmem_shared>>
      tpu.wait_dma2 semaphore(%run_scoped3A_133 : memref<!tpu.dma_semaphore, #tpu.memory_space<semaphore_mem>>) src(%dma_wait3A_143 : memref<632x128xf32, #tpu.memory_space<vmem_shared>>) dst(%dma_wait3A_141 : memref<632x128xf32, #tpu.memory_space<hbm>>)
      tpu.yield
    }) : () -> ()
    "tpu.region"() ({
      %run_scoped3A_133 = tpu.sem_alloc : memref<!tpu.dma_semaphore, #tpu.memory_space<semaphore_mem>>
      %dma_start3A_134 = arith.constant 0 : i32
      %dma_start3A_135 = tpu.memref_slice %arg7[%add3A, %dma_start3A_134] : memref<32x10112xf32, #tpu.memory_space<hbm>> -> memref<1x10112xf32, #tpu.memory_space<hbm>>
      %dma_start3A_136 = tpu.memref_squeeze %dma_start3A_135 : memref<1x10112xf32, #tpu.memory_space<hbm>> -> memref<10112xf32, #tpu.memory_space<hbm>>
      %dma_start3A_137 = arith.constant 0 : i32
      %dma_start3A_138 = tpu.memref_slice %arg7[%add3A, %dma_start3A_137] : memref<32x10112xf32, #tpu.memory_space<hbm>> -> memref<1x10112xf32, #tpu.memory_space<hbm>>
      %dma_start3A_139 = tpu.memref_squeeze %dma_start3A_138 : memref<1x10112xf32, #tpu.memory_space<hbm>> -> memref<10112xf32, #tpu.memory_space<hbm>>
      tpu.enqueue_dma source(%arg10 : memref<10112xf32, #tpu.memory_space<vmem>>) target(%dma_start3A_139 : memref<10112xf32, #tpu.memory_space<hbm>>) target_semaphore(%run_scoped3A_133 : memref<!tpu.dma_semaphore, #tpu.memory_space<semaphore_mem>>)
      %dma_wait3A_140 = arith.constant 0 : i32
      %dma_wait3A_141 = tpu.memref_slice %arg7[%add3A, %dma_wait3A_140] : memref<32x10112xf32, #tpu.memory_space<hbm>> -> memref<1x10112xf32, #tpu.memory_space<hbm>>
      %dma_wait3A_142 = tpu.memref_squeeze %dma_wait3A_141 : memref<1x10112xf32, #tpu.memory_space<hbm>> -> memref<10112xf32, #tpu.memory_space<hbm>>
      %dma_wait3A_143 = arith.constant 0 : i32
      %dma_wait3A_144 = tpu.memref_slice %arg7[%add3A, %dma_wait3A_143] : memref<32x10112xf32, #tpu.memory_space<hbm>> -> memref<1x10112xf32, #tpu.memory_space<hbm>>
      %dma_wait3A_145 = tpu.memref_squeeze %dma_wait3A_144 : memref<1x10112xf32, #tpu.memory_space<hbm>> -> memref<10112xf32, #tpu.memory_space<hbm>>
      tpu.wait_dma2 semaphore(%run_scoped3A_133 : memref<!tpu.dma_semaphore, #tpu.memory_space<semaphore_mem>>) src(%arg10 : memref<10112xf32, #tpu.memory_space<vmem>>) dst(%dma_wait3A_145 : memref<10112xf32, #tpu.memory_space<hbm>>)
      tpu.yield
    }) : () -> ()
    return
  }
}

module attributes {stable_mosaic.version = 14 : i64} {
  func.func @_combine_body(%arg0: i32, %arg1: memref<1000x128xf32, #tpu.memory_space<vmem>>, %arg2: memref<2x1000x128xf32, #tpu.memory_space<vmem>>, %arg3: memref<32x1x1x1000xf32, #tpu.memory_space<vmem>>, %arg4: memref<1000x128xf32, #tpu.memory_space<vmem>>) attributes {dimension_semantics = [#tpu.dimension_semantics<arbitrary>], iteration_bounds = array<i64: 10>, scalar_prefetch = 0 : i64, scratch_operands = 0 : i64, tpu.core_type = #tpu.core_type<tc>, window_params = [{transform_indices = @transform_0, window_bounds = array<i64: 1000, 128>}, {transform_indices = @transform_1, window_bounds = array<i64: 2, 1000, 128>}, {transform_indices = @transform_2, window_bounds = array<i64: 32, 1, 1, 1000>}, {transform_indices = @transform_3, window_bounds = array<i64: 1000, 128>}]} {
    %get3A = arith.constant 0 : index
    %get3A_0 = arith.constant 0 : index
    %get3A_1 = vector.load %arg1[%get3A, %get3A_0] : memref<1000x128xf32, #tpu.memory_space<vmem>>, vector<1000x128xf32>
    %get3A_2 = arith.constant 0 : index
    %get3A_3 = arith.constant 0 : index
    %get3A_4 = arith.constant 0 : index
    %get3A_5 = vector.load %arg2[%get3A_2, %get3A_3, %get3A_4] : memref<2x1000x128xf32, #tpu.memory_space<vmem>>, vector<1x1000x128xf32>
    %get3A_6 = vector.shape_cast %get3A_5 : vector<1x1000x128xf32> to vector<1000x128xf32>
    %get3A_7 = arith.constant 1 : index
    %get3A_8 = arith.constant 0 : index
    %get3A_9 = arith.constant 0 : index
    %get3A_10 = vector.load %arg2[%get3A_7, %get3A_8, %get3A_9] : memref<2x1000x128xf32, #tpu.memory_space<vmem>>, vector<1x1000x128xf32>
    %get3A_11 = vector.shape_cast %get3A_10 : vector<1x1000x128xf32> to vector<1000x128xf32>
    %add3A = arith.addf %get3A_6, %get3A_11 : vector<1000x128xf32>
    %add3A_12 = arith.addf %add3A, %get3A_1 : vector<1000x128xf32>
    %get3A_13 = arith.constant 0 : index
    %get3A_14 = arith.constant 0 : index
    %get3A_15 = arith.constant 0 : index
    %get3A_16 = arith.constant 0 : index
    %get3A_17 = vector.load %arg3[%get3A_13, %get3A_14, %get3A_15, %get3A_16] : memref<32x1x1x1000xf32, #tpu.memory_space<vmem>>, vector<32x1x1x1000xf32>
    %get3A_18 = vector.shape_cast %get3A_17 : vector<32x1x1x1000xf32> to vector<32x1000xf32>
    %reduce_sum3A = arith.constant dense<0.000000e+00> : vector<1000xf32>
    %reduce_sum3A_19 = vector.multi_reduction <add>, %get3A_18, %reduce_sum3A [0] : vector<32x1000xf32> to vector<1000xf32>
    %add3A_20 = arith.constant 1.000000e+00 : f32
    %add3A_21 = vector.broadcast %add3A_20 : f32 to vector<1000xf32>
    %add3A_22 = arith.addf %reduce_sum3A_19, %add3A_21 : vector<1000xf32>
    %broadcast_in_dim3A = vector.shape_cast %add3A_22 : vector<1000xf32> to vector<1000x1xf32>
    %div3A = vector.broadcast %broadcast_in_dim3A : vector<1000x1xf32> to vector<1000x128xf32>
    %div3A_23 = arith.divf %add3A_12, %div3A : vector<1000x128xf32>
    %add3A_24 = arith.addf %div3A_23, %get3A_1 : vector<1000x128xf32>
    %swap3A = arith.constant 0 : index
    %swap3A_25 = arith.constant 0 : index
    %swap3A_26 = vector.load %arg4[%swap3A, %swap3A_25] : memref<1000x128xf32, #tpu.memory_space<vmem>>, vector<1000x128xf32>
    tpu.vector_store %arg4[%swap3A, %swap3A_25], %add3A_24 {strides = array<i32>} : memref<1000x128xf32, #tpu.memory_space<vmem>>, vector<1000x128xf32>,
    return
  }
  func.func @transform_0(%arg0: i32) -> (i32, i32) {
    %c0_i32 = arith.constant 0 : i32
    %c0_i32_0 = arith.constant 0 : i32
    return %arg0, %c0_i32 : i32, i32
  }
  func.func @transform_1(%arg0: i32) -> (i32, i32, i32) {
    %c0_i32 = arith.constant 0 : i32
    %c0_i32_0 = arith.constant 0 : i32
    %c0_i32_1 = arith.constant 0 : i32
    return %c0_i32, %arg0, %c0_i32_0 : i32, i32, i32
  }
  func.func @transform_2(%arg0: i32) -> (i32, i32, i32, i32) {
    %c0_i32 = arith.constant 0 : i32
    %c0_i32_0 = arith.constant 0 : i32
    %c0_i32_1 = arith.constant 0 : i32
    %c0_i32_2 = arith.constant 0 : i32
    return %c0_i32, %arg0, %c0_i32_0, %c0_i32_1 : i32, i32, i32, i32
  }
  func.func @transform_3(%arg0: i32) -> (i32, i32) {
    %c0_i32 = arith.constant 0 : i32
    %c0_i32_0 = arith.constant 0 : i32
    return %arg0, %c0_i32 : i32, i32
  }
}

</mosaic_0001>

<sc_bundles>
// kernel: kernel.4.cloned.1.call-start
scs
__scs_entry_jumppad:
0x0: {  	(pc) =	sbr.rel $0x88, $3  }
0x1: {  	(tag) =	ssettag $0x0;
	lr =	simm.s32 $0x1  }
0x2: {  	[smem:$0x3F9F] =	sst lr;
	_ =	strace $0xD0000000  }
0x3: {  	_ = 	snop  }
0x4: {  	_ = 	snop  }
0x5: {  	_ = 	snop  }
0x6: {  	_ = 	snop  }
0x7: {  	_ = 	snop  }
__scs_overlays_trampoline_lowered:
0x8: {  	[smem:$0x3FAE] =	sst s0  }
0x9: {  	[smem:$0x3FAF] =	sst s1  }
0xa: {  	[smem:$0x3FB0] =	sst s2  }
0xb: {  	[smem:$0x3FB1] =	sst s3  }
0xc: {  	[smem:$0x3FB2] =	sst s4  }
0xd: {  	[smem:$0x3FB3] =	sst s5  }
0xe: {  	[smem:$0x3FB4] =	sst s6  }
0xf: {  	[smem:$0x3FB5] =	sst s7  }
0x10: {  	[smem:$0x3FB6] =	sst s8  }
0x11: {  	[smem:$0x3FB7] =	sst s9;
	s0 =	simm.s32 @!p0 $0x0  }
0x12: {  	s1 =	sld [smem:$0x3F9D];
	s0 =	simm.s32 @p0 $0x1  }
0x13: {  	[smem:$0x3FB8] =	sst s0;
	s0 =	simm.s32 @!p1 $0x0  }
0x14: {  	s2 =	sld [smem:$0x3F9C];
	s0 =	simm.s32 @p1 $0x1  }
0x15: {  	[smem:$0x3FB9] =	sst s0;
	s0 =	simm.s32 @!p2 $0x0  }
0x16: {  	s3 =	sld [smem:$0x3FDB];
	s0 =	simm.s32 @p2 $0x1  }
0x17: {  	s4 =	simm.s32 $0x1BF5;
	[smem:$0x3FBB] =	sst s0  }
0x18: {  	s0 =	sld [smem:$0x3F9E];
	_ =	swait.ge [sflag:s4], $0x0  }
0x19: {  	s7 =	sld [smem:$0x3F9F]  }
0x1a: {  	s8 =	sadd.s32 $0xFFFFE003, lr  }
0x1b: {  	s9 =	sadd.s32 $0xFFFFFEF7, lr;
	s5 =	simm.s32 $0xFFFFFFFF;
	p2 =	slt.u32 s8, $0xFFFFF086  }
0x1c: {  	p1 =	slt.u32 s9, $0xF7A;
	s5 =	simm.s32 @!p2 $0x0  }
0x1d: {  	s5 =	simm.s32 @p1 $0x1;
	p0 =	seq.s32 s7, s2  }
0x1e: {  	s7 =	smul.u32 @!p0 $0xF7A, s2;
	p2 =	seq.s32 @!p0 s5, $0x0  }
0x1f: {  	s9 =	smul.u32 $0xF7A, s1;
	s8 =	simm.s32 @!p0 $0x1BF5;
	p2 =	por !p2, p0  }
0x20: {  	[sflag:s8] =	ssyncset.s32 @!p0 $0xFFFFF086;
	s6 =	sadd.s32 @!p0 s3, s7;
	s7 =	simm.s32 @!p0 $0x108  }
0x21: {  	s3 =	sadd.s32 s3, s9;
	s6 =	sadd.s32 @!p0 $0x88, s6;
	s7 =	simm.s32 @p2 $0x1082  }
0x22: {  	[simem:s7], [sflag:s8] =	dma.local @!p0 [hbm:s6], $0xF7A  }
0x23: {  	s9 =	sor.u32 $0xD0000000, s2;
	s6 =	simm.s32 $0x108;
	_ =	swait.ge @!p0 [sflag:s8], $0x0  }
0x24: {  	s3 =	sadd.s32 $0x88, s3;
	s6 =	simm.s32 @!p1 $0x1082;
	[sflag:s4] =	ssyncset.s32 $0xFFFFF086  }
0x25: {  	[simem:s6], [sflag:s4] =	dma.local [hbm:s3], $0xF7A  }
0x26: {  	[smem:$0x3F9F] =	sst s1;
	(tag) =	ssettag s2;
	_ =	strace s9  }
0x27: {  	s1 =	sld [smem:$0x3FAF]  }
0x28: {  	s2 =	sld [smem:$0x3FB0]  }
0x29: {  	s4 =	sld [smem:$0x3FB2]  }
0x2a: {  	p0 =	seq.s32 s5, $0x0;
	s5 =	sld [smem:$0x3FB3]  }
0x2b: {  	s6 =	sld [smem:$0x3FB4]  }
0x2c: {  	s7 =	sld [smem:$0x3FB5]  }
0x2d: {  	s3 =	simm.s32 $0x108;
	s8 =	sld [smem:$0x3FB6]  }
0x2e: {  	s3 =	simm.s32 @!p0 $0x1082;
	s9 =	sld [smem:$0x3FB7]  }
0x2f: {  	lr =	sadd.s32 s0, s3;
	s0 =	sld [smem:$0x3FAE]  }
0x30: {  	s3 =	sld [smem:$0x3FB1]  }
0x31: {  	[smem:$0x3FBA] =	sst s10  }
0x32: {  	s10 =	sld [smem:$0x3FB8];
	_ =	sdelay $0x3  }
0x33: {  	p0 =	seq.s32 s10, $0x1;
	s10 =	sld [smem:$0x3FBA];
	_ =	sdelay $0x3  }
0x34: {  	[smem:$0x3FBA] =	sst s10  }
0x35: {  	s10 =	sld [smem:$0x3FB9];
	_ =	sdelay $0x3  }
0x36: {  	p1 =	seq.s32 s10, $0x1;
	s10 =	sld [smem:$0x3FBA];
	_ =	sdelay $0x3  }
0x37: {  	[smem:$0x3FBA] =	sst s10  }
0x38: {  	s10 =	sld [smem:$0x3FBB]  }
0x39: {  	_ = 	snop;
	(pc) =	sbr.ind lr, $3  }
0x3a: {  	_ = 	snop  }
0x3b: {  	_ = 	snop  }
0x3c: {  	p2 =	seq.s32 s10, $0x1;
	s10 =	sld [smem:$0x3FBA]  }
0x3d: {  	_ =	shalt  }
0x3e: {  	_ =	shalt  }
0x3f: {  	_ =	shalt  }
0x40: {  	_ =	shalt  }
0x41: {  	_ =	shalt  }
0x42: {  	_ =	shalt  }
0x43: {  	_ =	shalt  }
0x44: {  	_ =	shalt  }
0x45: {  	_ =	shalt  }
0x46: {  	_ =	shalt  }
0x47: {  	_ =	shalt  }
0x48: {  	_ =	shalt  }
0x49: {  	_ =	shalt  }
0x4a: {  	_ =	shalt  }
0x4b: {  	_ =	shalt  }
0x4c: {  	_ =	shalt  }
0x4d: {  	_ =	shalt  }
0x4e: {  	_ =	shalt  }
0x4f: {  	_ =	shalt  }
0x50: {  	_ =	shalt  }
0x51: {  	_ =	shalt  }
0x52: {  	_ =	shalt  }
0x53: {  	_ =	shalt  }
0x54: {  	_ =	shalt  }
0x55: {  	_ =	shalt  }
0x56: {  	_ =	shalt  }
0x57: {  	_ =	shalt  }
0x58: {  	_ =	shalt  }
0x59: {  	_ =	shalt  }
0x5a: {  	_ =	shalt  }
0x5b: {  	_ =	shalt  }
0x5c: {  	_ =	shalt  }
0x5d: {  	_ =	shalt  }
0x5e: {  	_ =	shalt  }
0x5f: {  	_ =	shalt  }
0x60: {  	_ =	shalt  }
0x61: {  	_ =	shalt  }
0x62: {  	_ =	shalt  }
0x63: {  	_ =	shalt  }
0x64: {  	_ =	shalt  }
0x65: {  	_ =	shalt  }
0x66: {  	_ =	shalt  }
0x67: {  	_ =	shalt  }
0x68: {  	_ =	shalt  }
0x69: {  	_ =	shalt  }
0x6a: {  	_ =	shalt  }
0x6b: {  	_ =	shalt  }
0x6c: {  	_ =	shalt  }
0x6d: {  	_ =	shalt  }
0x6e: {  	_ =	shalt  }
0x6f: {  	_ =	shalt  }
0x70: {  	_ =	shalt  }
0x71: {  	_ =	shalt  }
0x72: {  	_ =	shalt  }
0x73: {  	_ =	shalt  }
0x74: {  	_ =	shalt  }
0x75: {  	_ =	shalt  }
0x76: {  	_ =	shalt  }
0x77: {  	_ =	shalt  }
0x78: {  	_ =	shalt  }
0x79: {  	_ =	shalt  }
0x7a: {  	_ =	shalt  }
0x7b: {  	_ =	shalt  }
0x7c: {  	_ =	shalt  }
0x7d: {  	_ =	shalt  }
0x7e: {  	_ =	shalt  }
0x7f: {  	_ =	shalt  }
0x80: {  	_ =	shalt  }
0x81: {  	_ =	shalt  }
0x82: {  	_ =	shalt  }
0x83: {  	_ =	shalt  }
0x84: {  	_ =	shalt  }
0x85: {  	_ =	shalt  }
0x86: {  	_ =	shalt  }
0x87: {  	_ =	shalt  }
.Lfunc_end0:
.L_simem_size_0:
called_computation_lowered:
.L_overlay_start_0:
0x88: {  	s2 =	sld [smem:$0x3FD9]  }
0x89: {  	s3 =	sld [smem:$0x3FFE];
	_ =	sdelay $0x1  }
0x8a: {  	s1 =	srdreg.scid  }
0x8b: {  	s0 =	sand.u32 $0x1, s1  }
0x8c: {  	s17 =	sshll.u32 s0, $0xA;
	s2 =	sadd.s32 s3, s2  }
0x8d: {  	s2 =	sadd.s32 s2, s17  }
0x8e: {  	[smem:$0x3FC6] =	sst s2  }
0x8f: {  	_ = 	snop  }
0x90: {  	s2 =	sld [smem:$0x3FC9]  }
0x91: {  	s18 =	sld [smem:$0x3FD0];
	(tm) =	ssettm $0x1  }
0x92: {  	s4 =	sld [smem:$0x3FFB];
	_ =	sdelay $0x3  }
0x93: {  	_ =	strace s4  }
0x94: {  	s4 =	sld [smem:$0x3FFC];
	_ =	sdelay $0x3  }
0x95: {  	_ =	strace s4  }
0x96: {  	s4 =	sld [smem:$0x3FFD];
	_ =	sdelay $0x3  }
0x97: {  	_ =	strace s4  }
0x98: {  	_ =	strace $0x8FFFFFFF  }
0x99: {  	s19 =	sld [smem:$0x3FDB];
	_ =	sdelay $0x1  }
0x9a: {  	s5 =	simm.s32 $_scs_section_size  }
0x9b: {  	s6 =	simm.s32 $_size__tile_overlayer_lowered;
	s7 =	simm.s32 $_tile_overlayer_lowered  }
0x9c: {  	s22 =	simm.s32 $0x1BFF;
	s21 =	sshll.u32 s7, $0x1;
	s4 =	sadd.s32 s5, s19  }
0x9d: {  	s8 =	simm.s32 $0x0;
	s20 =	sshll.u32 s6, $0x1;
	s6 =	sadd.s32 s21, s4  }
0x9e: {  	[timem:s8], [sflag:s22] =	dma.local [hbm:s6], s20  }
0x9f: {  	_ =	swait.ge [sflag:s22], s20  }
0xa0: {  	s5 =	ssub.s32 $0x0, s20;
	[sflag:s22] =	ssyncset.done $0x0  }
0xa1: {  	[sflag:s22] =	ssyncadd.s32 s5;
	_ =	sdelay $0x1  }
0xa2: {  	s23 =	simm.s32 $0x1B8B  }
0xa3: {  	_ =	swait.ge [sflag:s23], $0x1  }
0xa4: {  	[sflag:s23] =	ssyncset.done $0x0  }
0xa5: {  	s25 =	simm.s32 $0x1B8E;
	s24 =	sld [smem:$0x3FFE];
	[sflag:s23] =	ssyncadd.s32 $0xFFFFFFFF  }
0xa6: {  	s26 =	simm.s32 $execute0_lowered;
	[smem:$0x3FD2] =	sst s25  }
0xa7: {  	s6 =	sshll.u32 s26, $0x1;
	_ =	strace $0x80000046;
	[dreg:$0x1] =	wrdreg $0xFFFFFFFF  }
0xa8: {  	s28 =	simm.s32 $_size_execute0_lowered;
	s4 =	sadd.s32 s4, s6;
	[dreg:$0x0] =	wrdreg $0x0  }
0xa9: {  	s6 =	sshll.u32 s28, $0x1;
	[dreg:$0x2] =	wrdreg s4  }
0xaa: {  	[dreg:$0x3] =	wrdreg s6  }
0xab: {  	[dreg:$0x4] =	wrdreg $0xC0  }
0xac: {  	_ =	task [dreg:s8], $0x5FFFF  }
0xad: {  	[dreg:$0x1] =	wrdreg $0xFFFFFFFF  }
0xae: {  	[dreg:$0x0] =	wrdreg $0x60  }
0xaf: {  	[dreg:$0x2] =	wrdreg s2  }
0xb0: {  	[dreg:$0x3] =	wrdreg s18  }
0xb1: {  	[dreg:$0x4] =	wrdreg s24  }
0xb2: {  	[dreg:$0x5] =	wrdreg $0x99800  }
0xb3: {  	[dreg:$0x6] =	wrdreg $0x9  }
0xb4: {  	_ =	task.clear_ibuf [dreg:s8], $0x7FFFF;
	_ =	strace $0x90000046  }
0xb5: {  	s29 =	simm.s32 $0x9;
	_ =	strace $0x80000048  }
0xb6: {  	_ =	swait.ge [sflag:s29], $0x1  }
0xb7: {  	[sflag:s29] =	ssyncadd.s32 $0xFFFFFFFF  }
0xb8: {  	_ =	strace $0x90000048  }
0xb9: {  	_ =	sfence  }
0xba: {  	s30 =	sld [smem:$0x0];
	_ =	sdelay $0x2  }
0xbb: {  	s31 =	sshll.u32 s1, $0xD;
	s1 =	sshrl.u32 s1, $0x2  }
0xbc: {  	s3 =	sand.u32 $0x4000, s31;
	s1 =	sadd.s32 s1, s30  }
0xbd: {  	s0 =	sor.u32 s3, s0;
	s1 =	sshll.u32 s1, $0x11  }
0xbe: {  	s0 =	sor.u32 s1, s0  }
0xbf: {  	s0 =	sadd.s32 $0x8F2B, s0  }
0xc0: {  	[sflag:s0] =	ssyncadd.remote.s32 $0x1  }
0xc1: {  	_ =	sfence.sel $0xFFFF  }
0xc2: {  	[dreg:$0x0] =	wrdreg $0xFFFFFFFF;
	(pc) =	sbr.abs _section_cstart, $3  }
0xc3: {  	[dreg:$0x1] =	wrdreg $0xFFFFFFFF  }
0xc4: {  	_ =	task.clear_ibuf [dreg:s8], $0x2FFFF;
	_ =	strace $0x9FFFFFFF  }
0xc5: {  	(tm) =	ssettm $0x7FFFFFFF  }
tec
execute0_lowered:
.L_overlay_start_1:
0x0: {  	(tag) =	ssettag $0x1  }
0x1: {  	s1 =	rddreg [dreg:$0x0]  }
0x2: {  	s0 =	rddreg [dreg:$0x1]  }
0x3: {  	s2 =	rddreg [dreg:$0x2];
	s4 =	srdreg.scid  }
0x4: {  	s3 =	rddreg [dreg:$0x3];
	s13 =	stileid.u32;
	s19 =	simm.s32 $0x3  }
0x5: {  	s20 =	simm.s32 $0x70;
	s23 =	simm.s32 $0x3A00;
	s24 =	simm.s32 $0x7200  }
0x6: {  	s30 =	simm.s32 $0x400;
	s31 =	simm.s32 $0x0;
	s9 =	smul.u32 $0x13C00, s13  }
0x7: {  	s7 =	sand.u32 $0x1, s4;
	s4 =	simm.s32 $0x0;
	s28 =	smul.u32 $0x4F000, s13  }
0x8: {  	s11 =	sshll.u32 s13, $0x7;
	s5 =	sshll.u32 s7, $0x4;
	s6 =	smul.u32 $0x13C000, s7  }
0x9: {  	[smem:$0x7FF] =	sst s4;
	s11 =	sand.u32 $0x380, s11;
	s26 =	ssub.s32 $0x2, s7  }
0xa: {  	s12 =	smul.u32 $0x5B000, s7;
	s8 =	sor.u32 s13, s5;
	_ =	strace $0x80000047  }
0xb: {  	s29 =	sshrl.u32 s26, $0x1;
	s13 =	smul.u32 $0x5B00, s13;
	s5 =	sshrl.u32 s8, $0x3  }
0xc: {  	s9 =	sadd.s32 s9, s6;
	s6 =	sadd.s32 $0xC00, s2;
	s8 =	smul.u32 $0x5B00, s8  }
0xd: {  	s17 =	ssub.s32 s26, s29;
	s26 =	simm.s32 $0x2;
	s10 =	smul.u32 $0x13C00, s5  }
0xe: {  	s5 =	sadd.s32 $0x1200, s2;
	s9 =	sshrl.u32 s9, $0x3;
	s14 =	sadd.s32 s13, s12  }
0xf: {  	s17 =	smax.u32 s17, $0x1;
	s15 =	sadd.s32 s9, s2;
	s8 =	sshrl.u32 s8, $0x3  }
0x10: {  	s16 =	sadd.s32 $0x200, s14;
	s10 =	sor.u32 s11, s10;
	s7 =	sadd.s32 s0, s8  }
0x11: {  	s15 =	sadd.s32 $0xB800, s15;
	s18 =	sshrl.u32 s16, $0x3;
	s25 =	sshrl.u32 s10, $0x3  }
0x12: {  	s10 =	sshrl.u32 s28, $0x2;
	s8 =	sadd.s32 $0x20, s7;
	s0 =	sadd.s32 s18, s0  }
0x13: {  	s2 =	sadd.s32 s25, s2;
	s9 =	sadd.s32 s10, s3;
	s25 =	simm.s32 $0x1  }
0x14: {  	s10 =	sadd.s32 $0x3800, s9;
	s11 =	sadd.s32 $0x7000, s9;
	s12 =	sadd.s32 $0xA800, s9  }
0x15: {  	v0 =	vimm.f32 $1.000000000e+00;
	s13 =	sadd.s32 $0xE000, s9;
	s14 =	sadd.s32 $0x11800, s9;
	s16 =	sadd.s32 $0x1A00, s2  }
.LBB2_1:
0x16: {  	[tilespmem:s4], [sflag:$0x3] =	stream.linear.gather [hbm4b:s7+s4], $0x100, $0x38;
	[tilespmem:$0x1D580] =	vst v63  }
0x17: {  	_ =	swait.ge [sflag:s19], $0x100  }
0x18: {  	[sflag:s19] =	ssyncset.done $0x0  }
0x19: {  	s2 =	simm.s32 $0x200;
	[sflag:s19] =	ssyncadd.s32 $0xFFFFFF00  }
0x1a: {  	[tilespmem:s2], [sflag:$0x1] =	stream.indirect.gather [hbm4b:s1+s20], $0x80, s4, s20, $0xb8;
	[tilespmem:$0x1D580] =	vst v63  }
0x1b: {  	s29 =	simm.s32 $0x100  }
0x1c: {  	[tilespmem:s29], [sflag:$0x2] =	stream.linear.gather [hbm4b:s8+s4], $0x100, $0x38;
	[tilespmem:$0x1D580] =	vst v63  }
0x1d: {  	_ = 	snop  }
0x1e: {  	[tilespmem:s23], [sflag:$0x3] =	stream.linear.gather [hbm4b:s5+s4], $0x3800, $0x38;
	[tilespmem:$0x1D580] =	vst v63  }
0x1f: {  	_ =	swait.ge [sflag:s19], $0x3800  }
0x20: {  	[sflag:s19] =	ssyncset.done $0x0  }
0x21: {  	[sflag:s19] =	ssyncadd.s32 $0xFFFFC800  }
0x22: {  	[tilespmem:s24], [sflag:$0x3] =	stream.linear.gather [hbm4b:s6+s4], $0x2780, $0x38;
	[tilespmem:$0x1D580] =	vst v63  }
0x23: {  	_ =	swait.ge [sflag:s19], $0x2780  }
0x24: {  	[sflag:s19] =	ssyncset.done $0x0  }
0x25: {  	[sflag:s19] =	ssyncadd.s32 $0xFFFFD880  }
0x26: {  	[spmem:s9] =	stream.linear.scatter [tilespmem:s23], [sflag:$0x3], $0x3800, $0x38;
	[tilespmem:$0x1D580] =	vst v63  }
0x27: {  	_ =	swait.ge [sflag:s19], $0x3800  }
0x28: {  	[sflag:s19] =	ssyncset.done $0x0  }
0x29: {  	[sflag:s19] =	ssyncadd.s32 $0xFFFFC800  }
0x2a: {  	[spmem:s10] =	stream.linear.scatter [tilespmem:s23], [sflag:$0x3], $0x3800, $0x38;
	[tilespmem:$0x1D580] =	vst v63  }
0x2b: {  	_ =	swait.ge [sflag:s19], $0x3800  }
0x2c: {  	[sflag:s19] =	ssyncset.done $0x0  }
0x2d: {  	[sflag:s19] =	ssyncadd.s32 $0xFFFFC800  }
0x2e: {  	[spmem:s11] =	stream.linear.scatter [tilespmem:s23], [sflag:$0x3], $0x3800, $0x38;
	[tilespmem:$0x1D580] =	vst v63  }
0x2f: {  	_ =	swait.ge [sflag:s19], $0x3800  }
0x30: {  	[sflag:s19] =	ssyncset.done $0x0  }
0x31: {  	[sflag:s19] =	ssyncadd.s32 $0xFFFFC800  }
0x32: {  	[spmem:s12] =	stream.linear.scatter [tilespmem:s23], [sflag:$0x3], $0x3800, $0x38;
	[tilespmem:$0x1D580] =	vst v63  }
0x33: {  	_ =	swait.ge [sflag:s19], $0x3800  }
0x34: {  	[sflag:s19] =	ssyncset.done $0x0  }
0x35: {  	[sflag:s19] =	ssyncadd.s32 $0xFFFFC800  }
0x36: {  	[spmem:s13] =	stream.linear.scatter [tilespmem:s23], [sflag:$0x3], $0x3800, $0x38;
	[tilespmem:$0x1D580] =	vst v63  }
0x37: {  	_ =	swait.ge [sflag:s19], $0x3800  }
0x38: {  	[sflag:s19] =	ssyncset.done $0x0  }
0x39: {  	[sflag:s19] =	ssyncadd.s32 $0xFFFFC800  }
0x3a: {  	[spmem:s14] =	stream.linear.scatter [tilespmem:s23], [sflag:$0x3], $0x2400, $0x38;
	[tilespmem:$0x1D580] =	vst v63  }
0x3b: {  	_ =	swait.ge [sflag:s19], $0x2400  }
0x3c: {  	[sflag:s19] =	ssyncset.done $0x0  }
0x3d: {  	[sflag:s19] =	ssyncadd.s32 $0xFFFFDC00  }
0x3e: {  	s18 =	smov.u32 s0;
	s2 =	simm.s32 $0x0;
	[bflag:$0x0] =	sbarrier.arrive $0xFFFF  }
.LBB2_2:
0x3f: {  	s21 =	sand.u32 $0x1, s2;
	_ =	swait.ge [sflag:s25], $0x3800  }
0x40: {  	s22 =	sxor.u32 $0x1, s21;
	[sflag:s25] =	ssyncset.done $0x0  }
0x41: {  	[sflag:s25] =	ssyncadd.s32 $0xFFFFC800;
	s28 =	smul.u32 $0xE000, s22  }
0x42: {  	_ =	swait.ge [sflag:s26], $0x100  }
0x43: {  	s29 =	smul.u32 $0xE000, s21;
	[sflag:s26] =	ssyncset.done $0x0;
	s28 =	sshrl.u32 s28, $0x2  }
0x44: {  	s22 =	sshll.u32 s22, $0x8;
	[sflag:s26] =	ssyncadd.s32 $0xFFFFFF00;
	s28 =	sor.u32 $0x200, s28  }
0x45: {  	[tilespmem:s28], [sflag:$0x1] =	stream.indirect.gather [hbm4b:s1+s20], $0x80, s22, s20, $0xb8;
	[tilespmem:$0x1D580] =	vst v63  }
0x46: {  	s21 =	sshll.u32 s21, $0x8;
	s28 =	sshrl.u32 s29, $0x2  }
0x47: {  	s29 =	sor.u32 $0x80, s21;
	s22 =	sor.u32 $0x200, s28  }
0x48: {  	[spmem:s3] =	stream.indirect.scatter.add.f32 [tilespmem:s22], [sflag:$0x3], $0x80, s29, s20, $0xb8;
	[tilespmem:$0x1D580] =	vst v63  }
0x49: {  	_ =	swait.ge [sflag:s19], $0x3800  }
0x4a: {  	[sflag:s19] =	ssyncset.done $0x0  }
0x4b: {  	[sflag:s19] =	ssyncadd.s32 $0xFFFFC800  }
0x4c: {  	v1 =	vld [tilespmem:s21+$0x80];
	_ =	sdelay $0x7  }
0x4d: {  	[tilespmem:v1+s24+$0x0] =	vst.idx.add.f32.msk $0xffff, v0  }
0x4e: {  	v1 =	vld [tilespmem:s21+$0x90];
	_ =	sdelay $0x7  }
0x4f: {  	[tilespmem:v1+s24+$0x0] =	vst.idx.add.f32.msk $0xffff, v0  }
0x50: {  	v1 =	vld [tilespmem:s21+$0xA0];
	_ =	sdelay $0x7  }
0x51: {  	[tilespmem:v1+s24+$0x0] =	vst.idx.add.f32.msk $0xffff, v0  }
0x52: {  	v1 =	vld [tilespmem:s21+$0xB0];
	_ =	sdelay $0x7  }
0x53: {  	[tilespmem:v1+s24+$0x0] =	vst.idx.add.f32.msk $0xffff, v0  }
0x54: {  	v1 =	vld [tilespmem:s21+$0xC0];
	_ =	sdelay $0x7  }
0x55: {  	[tilespmem:v1+s24+$0x0] =	vst.idx.add.f32.msk $0xffff, v0  }
0x56: {  	v1 =	vld [tilespmem:s21+$0xD0];
	_ =	sdelay $0x7  }
0x57: {  	[tilespmem:v1+s24+$0x0] =	vst.idx.add.f32.msk $0xffff, v0  }
0x58: {  	v1 =	vld [tilespmem:s21+$0xE0];
	_ =	sdelay $0x4  }
0x59: {  	p0 =	sne.s32 s2, $0x58  }
.Ltmp0:
0x5a: {  	_ = 	snop;
	(pc) =	sbr.rel @p0 .LBB2_2-.Ltmp0, $4  }
0x5b: {  	_ = 	snop  }
0x5c: {  	[tilespmem:v1+s24+$0x0] =	vst.idx.add.f32.msk $0xffff, v0  }
0x5d: {  	[tilespmem:s21], [sflag:$0x2] =	stream.linear.gather [hbm4b:s18+s4], $0x100, $0x38;
	[tilespmem:$0x1D580] =	vst v63  }
0x5e: {  	s2 =	sadd.s32 $0x1, s2;
	s18 =	sadd.s32 $0x20, s18  }
0x5f: {  	_ =	swait.ge [sflag:s25], $0x3800  }
0x60: {  	[sflag:s25] =	ssyncset.done $0x0  }
0x61: {  	[sflag:s25] =	ssyncadd.s32 $0xFFFFC800  }
0x62: {  	_ =	swait.ge [sflag:s26], $0x100  }
0x63: {  	[sflag:s26] =	ssyncset.done $0x0  }
0x64: {  	s2 =	simm.s32 $0x180;
	[sflag:s26] =	ssyncadd.s32 $0xFFFFFF00  }
0x65: {  	[spmem:s3] =	stream.indirect.scatter.add.f32 [tilespmem:s23], [sflag:$0x3], $0x80, s2, s20, $0xb8;
	[tilespmem:$0x1D580] =	vst v63  }
0x66: {  	_ =	swait.ge [sflag:s19], $0x3800  }
0x67: {  	[sflag:s19] =	ssyncset.done $0x0  }
0x68: {  	[sflag:s19] =	ssyncadd.s32 $0xFFFFC800  }
0x69: {  	v1 =	vld [tilespmem:$0x180];
	_ =	sdelay $0x7  }
0x6a: {  	[tilespmem:v1+s24+$0x0] =	vst.idx.add.f32.msk $0xffff, v0  }
0x6b: {  	v1 =	vld [tilespmem:$0x190];
	_ =	sdelay $0x7  }
0x6c: {  	[tilespmem:v1+s24+$0x0] =	vst.idx.add.f32.msk $0xffff, v0  }
0x6d: {  	v1 =	vld [tilespmem:$0x1A0];
	_ =	sdelay $0x7  }
0x6e: {  	[tilespmem:v1+s24+$0x0] =	vst.idx.add.f32.msk $0xffff, v0  }
0x6f: {  	v1 =	vld [tilespmem:$0x1B0];
	_ =	sdelay $0x7  }
0x70: {  	[tilespmem:v1+s24+$0x0] =	vst.idx.add.f32.msk $0xffff, v0  }
0x71: {  	v1 =	vld [tilespmem:$0x1C0];
	_ =	sdelay $0x7  }
0x72: {  	[tilespmem:v1+s24+$0x0] =	vst.idx.add.f32.msk $0xffff, v0  }
0x73: {  	v1 =	vld [tilespmem:$0x1D0];
	_ =	sdelay $0x7  }
0x74: {  	[tilespmem:v1+s24+$0x0] =	vst.idx.add.f32.msk $0xffff, v0  }
0x75: {  	v1 =	vld [tilespmem:$0x1E0];
	_ =	sdelay $0x6  }
0x76: {  	s28 =	stileid.u32  }
0x77: {  	s2 =	sshll.u32 s28, $0x6;
	[tilespmem:v1+s24+$0x0] =	vst.idx.add.f32.msk $0xffff, v0  }
0x78: {  	s18 =	sshrl.u32 s9, $0x3;
	s2 =	sor.u32 $0x1C03, s2;
	[bflag:$0x0] =	sbarrier.arrive $0xFFFF  }
0x79: {  	[hbm:s15], [sflag:s2] =	dma.local [spmem:s18], $0x2780  }
0x7a: {  	s31 =	sadd.s32 $0x1, s31;
	_ =	swait.ge [sflag:s19], $0x2780  }
0x7b: {  	p0 =	sne.s32 s31, s17;
	[sflag:s19] =	ssyncset.done $0x0  }
.Ltmp1:
0x7c: {  	s29 =	simm.s32 $0x80;
	[sflag:s19] =	ssyncadd.s32 $0xFFFFD880;
	(pc) =	sbr.rel @p0 .LBB2_1-.Ltmp1, $4  }
0x7d: {  	[hbm4b:s16+s29] =	stream.strided.scatter [tilespmem:s24], [sflag:$0x3], $0x2780, s30, s29, $0x38;
	[tilespmem:$0x1D580] =	vst v63  }
0x7e: {  	_ =	swait.ge [sflag:s19], $0x2780  }
0x7f: {  	[sflag:s19] =	ssyncset.done $0x0  }
0x80: {  	[sflag:s19] =	ssyncadd.s32 $0xFFFFD880  }
0x81: {  	_ =	sfence.sel $0x180000  }
0x82: {  	[bflag:$0x0] =	sbarrier.arrive $0xFFFF  }
0x83: {  	_ =	strace $0x90000047  }
0x84: {  	s0 =	stileid.u32;
	[bflag:$0x2] =	sbarrier.arrive $0xFFFF  }
0x85: {  	p0 =	sne.s32 s0, $0x0;
	s0 =	rddreg [dreg:$0x4]  }
0x86: {  	s0 =	sadd.s32 @!p0 $0x100000, s0  }
0x87: {  	[sflag:s0] =	ssyncadd.tile.s32 @!p0 $0x1;
	_ =	shalt  }
.Lfunc_end2:
_tile_overlayer_lowered:
.L_overlay_start_2:
0x88: {  	(tag) =	ssettag $0x2  }
0x89: {  	s0 =	rddreg [dreg:$0x0];
	s2 =	stileid.u32  }
0x8a: {  	s1 =	rddreg [dreg:$0x1];
	p0 =	sne.s32 s2, $0x0  }
0x8b: {  	s3 =	rddreg [dreg:$0x2];
	[bflag:$0x3] =	sbarrier.arrive $0xFFFF;
	s2 =	simm.s32 @!p0 $0x1C03  }
0x8c: {  	[timem:s3], [sflag:s2] =	dma.local @!p0 [hbm:s0], s1  }
0x8d: {  	s0 =	simm.s32 @!p0 $0x3  }
0x8e: {  	_ =	swait.ge @!p0 [sflag:s0], s1  }
0x8f: {  	s1 =	ssub.s32 @!p0 $0x0, s1;
	[sflag:s0] =	ssyncset.done @!p0 $0x0  }
0x90: {  	[sflag:s0] =	ssyncadd.s32 @!p0 s1  }
0x91: {  	[bflag:$0x3] =	sbarrier.arrive $0xFFFF  }
0x92: {  	_ =	shalt  }

</sc_bundles>
